<compile_context>
chip_gen: v7x
topology: tpu7x:2x2x1
jax: 0.10.2.dev20260603
libtpu: 0.0.44.dev20260713+nightly
codegen_flags: <defaults>
</compile_context>

<pallas_src>
import functools
import jax
import jax.numpy as jnp
import numpy as np
from jax.experimental import pallas as pl
from jax.experimental.pallas import tpu as pltpu

HID = 128
NUM_LAYERS = 4
N_NODES = 10000
N_GRAPHS = 512
_DEG_HIST = np.array([0,0,0,0,0,0,0,0,0,0,0,0,0,0,0,0,120,260,420,560,680,760,800,820,800,760,680,560,420,260,120,60,30,15,8,4,2,1], dtype=np.float64)
_DELTA = float((_DEG_HIST * np.log(np.arange(len(_DEG_HIST)) + 1.0)).sum() / _DEG_HIST.sum())

_TILE = 1000
_GRID = N_NODES // _TILE


def _pre_body(h_ref, w_ref, b_ref, a_ref, u_ref):
    h = h_ref[...]
    wd = w_ref[0:HID, :]
    ws = w_ref[HID:2 * HID, :]
    a_ref[...] = jnp.dot(h, wd, preferred_element_type=jnp.float32) + b_ref[...]
    u_ref[...] = jnp.dot(h, ws, preferred_element_type=jnp.float32)


def _pre_call(h, w_pre, b_pre):
    return pl.pallas_call(
        _pre_body,
        grid=(_GRID,),
        in_specs=[
            pl.BlockSpec((_TILE, HID), lambda i: (i, 0)),
            pl.BlockSpec((2 * HID, HID), lambda i: (0, 0)),
            pl.BlockSpec((1, HID), lambda i: (0, 0)),
        ],
        out_specs=[
            pl.BlockSpec((_TILE, HID), lambda i: (i, 0)),
            pl.BlockSpec((_TILE, HID), lambda i: (i, 0)),
        ],
        out_shape=[jax.ShapeDtypeStruct((N_NODES, HID), jnp.float32)] * 2,
    )(h, w_pre, b_pre)


_EC = 256
_NB = 320000 // _EC
_BIG = 3.0e38


def _seg_body(us_ref, lr_ref, f_ref, uniq_ref, d_ref, out1_ref, out2_ref,
              psum_ref, pmin_ref):
    @pl.when(pl.program_id(0) == 0)
    def _init():
        out1_ref[...] = jnp.zeros_like(out1_ref)
        out2_ref[...] = jnp.full_like(out2_ref, _BIG)

    us = us_ref[...]
    lr = lr_ref[...]
    f = f_ref[...]
    cat = jnp.concatenate([us, us * us], axis=1)
    m = jnp.concatenate([us, -us], axis=1)

    iota_r = jax.lax.broadcasted_iota(jnp.int32, (_EC, _EC), 1)
    oh = (lr == iota_r).astype(jnp.float32)
    psum_ref[...] = jax.lax.dot_general(
        oh, cat, (((0,), (0,)), ((), ())), preferred_element_type=jnp.float32)

    s = 1
    while s < _EC:
        m_s = jnp.concatenate([m[s:], jnp.full((s, 2 * HID), _BIG)], axis=0)
        lr_s = jnp.concatenate([lr[s:], jnp.full((s, 1), -1, jnp.int32)], axis=0)
        m = jnp.minimum(m, jnp.where(lr_s == lr, m_s, _BIG))
        s *= 2
    sel = oh * f
    pmin_ref[...] = jax.lax.dot_general(
        sel, jnp.where(f > 0, m, 0.0), (((0,), (0,)), ((), ())),
        preferred_element_type=jnp.float32)

    def body(j, carry):
        r = uniq_ref[j]
        out1_ref[pl.ds(r, 1), :] = out1_ref[pl.ds(r, 1), :] + psum_ref[pl.ds(j, 1), :]
        out2_ref[pl.ds(r, 1), :] = jnp.minimum(out2_ref[pl.ds(r, 1), :],
                                               pmin_ref[pl.ds(j, 1), :])
        return carry

    jax.lax.fori_loop(0, d_ref[0], body, 0)


def _seg_call(us, lr, f, uniq, d):
    return pl.pallas_call(
        _seg_body,
        grid=(_NB,),
        in_specs=[
            pl.BlockSpec((_EC, HID), lambda i: (i, 0)),
            pl.BlockSpec((_EC, 1), lambda i: (i, 0)),
            pl.BlockSpec((_EC, 1), lambda i: (i, 0)),
            pl.BlockSpec((_EC,), lambda i: (i,), memory_space=pltpu.SMEM),
            pl.BlockSpec((128,), lambda i: (i,), memory_space=pltpu.SMEM),
        ],
        out_specs=[
            pl.BlockSpec((N_NODES, 2 * HID), lambda i: (0, 0)),
            pl.BlockSpec((N_NODES, 2 * HID), lambda i: (0, 0)),
        ],
        out_shape=[jax.ShapeDtypeStruct((N_NODES, 2 * HID), jnp.float32)] * 2,
        scratch_shapes=[
            pltpu.VMEM((_EC, 2 * HID), jnp.float32),
            pltpu.VMEM((_EC, 2 * HID), jnp.float32),
        ],
    )(us, lr, f, uniq, d)


def _post_body(h_ref, a_ref, s1_ref, s2_ref, mn_ref, mx_ref, deg_ref,
               wpost_ref, bpost_ref, wlin_ref, blin_ref, t_ref, stats_ref):
    h = h_ref[...]
    a = a_ref[...]
    s1 = s1_ref[...]
    s2 = s2_ref[...]
    deg = deg_ref[...]
    degc = jnp.maximum(deg, 1.0)
    has = deg > 0.0

    mean = (deg * a + s1) / degc
    msq = (deg * a * a + 2.0 * a * s1 + s2) / degc
    std = jnp.sqrt(jax.nn.relu(msq - mean * mean) + 1e-5)
    mn = jnp.where(has, a + mn_ref[...], 0.0)
    mx = jnp.where(has, a + mx_ref[...], 0.0)
    agg = jnp.concatenate([mean, mn, mx, std], axis=-1)

    logd = jnp.log(deg + 1.0)
    amp = logd / _DELTA
    att = _DELTA / jnp.maximum(logd, 1e-6)

    w0 = wpost_ref[0:HID, :]
    w1 = wpost_ref[HID:5 * HID, :]
    w2 = wpost_ref[5 * HID:9 * HID, :]
    w3 = wpost_ref[9 * HID:13 * HID, :]
    t = (jnp.dot(h, w0, preferred_element_type=jnp.float32)
         + jnp.dot(agg, w1, preferred_element_type=jnp.float32)
         + amp * jnp.dot(agg, w2, preferred_element_type=jnp.float32)
         + att * jnp.dot(agg, w3, preferred_element_type=jnp.float32)
         + bpost_ref[...])
    t = jnp.dot(t, wlin_ref[...], preferred_element_type=jnp.float32) + blin_ref[...]
    t_ref[...] = t

    part = jnp.concatenate(
        [jnp.sum(t, axis=0, keepdims=True),
         jnp.sum(t * t, axis=0, keepdims=True),
         jnp.zeros((6, HID), jnp.float32)], axis=0)

    @pl.when(pl.program_id(0) == 0)
    def _init():
        stats_ref[...] = jnp.zeros_like(stats_ref)

    stats_ref[...] += part


def _post_call(h, a, s1, s2, mn, mx, deg2d, w_post, b_post, w_lin, b_lin):
    tile_spec = pl.BlockSpec((_TILE, HID), lambda i: (i, 0))
    return pl.pallas_call(
        _post_body,
        grid=(_GRID,),
        in_specs=[
            tile_spec, tile_spec, tile_spec, tile_spec, tile_spec, tile_spec,
            pl.BlockSpec((_TILE, 1), lambda i: (i, 0)),
            pl.BlockSpec((13 * HID, HID), lambda i: (0, 0)),
            pl.BlockSpec((1, HID), lambda i: (0, 0)),
            pl.BlockSpec((HID, HID), lambda i: (0, 0)),
            pl.BlockSpec((1, HID), lambda i: (0, 0)),
        ],
        out_specs=[
            tile_spec,
            pl.BlockSpec((8, HID), lambda i: (0, 0)),
        ],
        out_shape=[
            jax.ShapeDtypeStruct((N_NODES, HID), jnp.float32),
            jax.ShapeDtypeStruct((8, HID), jnp.float32),
        ],
    )(h, a, s1, s2, mn, mx, deg2d, w_post, b_post, w_lin, b_lin)


def _bnres_body(t_ref, h_ref, stats_ref, g_ref, b_ref, out_ref):
    t = t_ref[...]
    mu = stats_ref[0:1, :] / float(N_NODES)
    var = stats_ref[1:2, :] / float(N_NODES) - mu * mu
    y = (t - mu) / jnp.sqrt(var + 1e-5) * g_ref[...] + b_ref[...]
    out_ref[...] = h_ref[...] + jax.nn.relu(y)


def _bnres_call(t, h, stats, gamma, beta):
    tile_spec = pl.BlockSpec((_TILE, HID), lambda i: (i, 0))
    return pl.pallas_call(
        _bnres_body,
        grid=(_GRID,),
        in_specs=[
            tile_spec, tile_spec,
            pl.BlockSpec((8, HID), lambda i: (0, 0)),
            pl.BlockSpec((1, HID), lambda i: (0, 0)),
            pl.BlockSpec((1, HID), lambda i: (0, 0)),
        ],
        out_specs=tile_spec,
        out_shape=jax.ShapeDtypeStruct((N_NODES, HID), jnp.float32),
    )(t, h, stats, gamma, beta)


def _pool_body(h_ref, batch_ref, wmlp_ref, bmlp_ref, out_ref):
    b = batch_ref[...]
    gi = jax.lax.broadcasted_iota(jnp.int32, (N_GRAPHS, N_NODES), 0)
    oh = (b == gi).astype(jnp.float32)
    cnt = jnp.sum(oh, axis=1, keepdims=True)
    pooled = jnp.dot(oh, h_ref[...], preferred_element_type=jnp.float32)
    pooled = pooled / jnp.maximum(cnt, 1.0)
    out_ref[...] = jnp.dot(pooled, wmlp_ref[...], preferred_element_type=jnp.float32) + bmlp_ref[...]


def _pool_call(h, batch2d, w_mlp, b_mlp):
    out_dim = w_mlp.shape[1]
    return pl.pallas_call(
        _pool_body,
        in_specs=[
            pl.BlockSpec((N_NODES, HID), lambda: (0, 0)),
            pl.BlockSpec((1, N_NODES), lambda: (0, 0)),
            pl.BlockSpec((HID, out_dim), lambda: (0, 0)),
            pl.BlockSpec((1, out_dim), lambda: (0, 0)),
        ],
        out_specs=pl.BlockSpec((N_GRAPHS, out_dim), lambda: (0, 0)),
        out_shape=jax.ShapeDtypeStruct((N_GRAPHS, out_dim), jnp.float32),
    )(h, batch2d, w_mlp, b_mlp)


@jax.jit
def kernel(x, edge_index, batch, emb_tables, W_pre, b_pre, W_post, b_post,
           W_lin, b_lin, bn_gamma, bn_beta, W_mlp, b_mlp):
    h = emb_tables[0][x[:, 0]]
    for i in range(1, 9):
        h = h + emb_tables[i][x[:, i]]

    order = jnp.argsort(edge_index[1])
    src = edge_index[0][order]
    dst = edge_index[1][order]
    deg = jax.ops.segment_sum(jnp.ones((src.shape[0],), jnp.float32), dst,
                              N_NODES, indices_are_sorted=True)
    deg2d = deg[:, None]

    n_e = src.shape[0]
    pos = jnp.arange(n_e, dtype=jnp.int32)
    fb = jnp.concatenate([jnp.ones((1,), jnp.bool_), dst[1:] != dst[:-1]])
    fb = fb | (pos % _EC == 0)
    rk = jnp.cumsum(fb.astype(jnp.int32)) - 1
    lr = rk - jnp.repeat(rk[::_EC], _EC)
    d_blk = lr.reshape(_NB, _EC)[:, -1] + 1
    uniq = jnp.zeros((_NB, _EC), jnp.int32).at[pos // _EC, lr].set(dst).reshape(-1)
    d_rep = jnp.repeat(d_blk, 128)
    lr2d = lr[:, None]
    f2d = fb.astype(jnp.float32)[:, None]

    for l in range(NUM_LAYERS):
        a, u = _pre_call(h, W_pre[l], b_pre[l][None, :])
        us = u[src]
        out1, out2 = _seg_call(us, lr2d, f2d, uniq, d_rep)
        s1, s2 = out1[:, :HID], out1[:, HID:]
        mn, mx = out2[:, :HID], -out2[:, HID:]
        t, stats = _post_call(h, a, s1, s2, mn, mx, deg2d, W_post[l],
                              b_post[l][None, :], W_lin[l], b_lin[l][None, :])
        h = _bnres_call(t, h, stats, bn_gamma[l][None, :], bn_beta[l][None, :])

    return _pool_call(h, batch.astype(jnp.int32)[None, :], W_mlp, b_mlp[None, :])

# --- scband reference (transcript-rebuilt; emitter-appended) ---
"""Pipeline reference for scband-pna-net-64888365908457 (READ-ONLY COPY).

The authoritative reference and input builder live on the scoring server;
editing this copy changes nothing except your own understanding.
"""

import jax, jax.numpy as jnp
import numpy as np

HID = 128
OUT = 128
NUM_LAYERS = 4
N_NODES = 10000
N_EDGES = 320000
N_GRAPHS = 512
ATOM_VOCABS = [119, 5, 12, 12, 10, 6, 6, 2, 2]
DEG_HIST = np.array([0,0,0,0,0,0,0,0,0,0,0,0,0,0,0,0,120,260,420,560,680,760,800,820,800,760,680,560,420,260,120,60,30,15,8,4,2,1], dtype=np.float64)
DELTA = float((DEG_HIST * np.log(np.arange(len(DEG_HIST)) + 1.0)).sum() / DEG_HIST.sum())


def setup_inputs(seed: int = 0):
    key = jax.random.key(seed)
    ks = [jax.random.fold_in(key, i) for i in range(40)]
    x = jax.random.randint(ks[0], (N_NODES, 9), 0, 2)
    edge_index = jax.random.randint(ks[1], (2, N_EDGES), 0, N_NODES)
    batch = jnp.sort(jax.random.randint(ks[2], (N_NODES,), 0, N_GRAPHS))
    emb_tables = [0.1 * jax.random.normal(ks[3 + i], (v, HID), dtype=jnp.float32) for i, v in enumerate(ATOM_VOCABS)]
    W_pre = jax.random.normal(ks[20], (NUM_LAYERS, 2 * HID, HID), dtype=jnp.float32) / np.sqrt(2 * HID)
    b_pre = jnp.zeros((NUM_LAYERS, HID), jnp.float32)
    W_post = jax.random.normal(ks[21], (NUM_LAYERS, 13 * HID, HID), dtype=jnp.float32) / np.sqrt(13 * HID)
    b_post = jnp.zeros((NUM_LAYERS, HID), jnp.float32)
    W_lin = jax.random.normal(ks[22], (NUM_LAYERS, HID, HID), dtype=jnp.float32) / np.sqrt(HID)
    b_lin = jnp.zeros((NUM_LAYERS, HID), jnp.float32)
    bn_gamma = jnp.ones((NUM_LAYERS, HID), jnp.float32)
    bn_beta = jnp.zeros((NUM_LAYERS, HID), jnp.float32)
    W_mlp = jax.random.normal(ks[23], (HID, OUT), dtype=jnp.float32) / np.sqrt(HID)
    b_mlp = jnp.zeros((OUT,), jnp.float32)
    return {"x": x, "edge_index": edge_index, "batch": batch, "emb_tables": emb_tables,
            "W_pre": W_pre, "b_pre": b_pre, "W_post": W_post, "b_post": b_post,
            "W_lin": W_lin, "b_lin": b_lin, "bn_gamma": bn_gamma, "bn_beta": bn_beta,
            "W_mlp": W_mlp, "b_mlp": b_mlp}


def _pna_conv(h, src, dst, Wp, bp, Wpost, bpost, Wlin, blin):
    # pre_nn (towers=1, pre_layers=1): single Linear on [x_i, x_j]
    m = jnp.concatenate([h[dst], h[src]], axis=-1) @ Wp + bp  # [E, HID]
    deg = jax.ops.segment_sum(jnp.ones((m.shape[0],), m.dtype), dst, N_NODES)
    degc = jnp.maximum(deg, 1.0)
    mean = jax.ops.segment_sum(m, dst, N_NODES) / degc[:, None]
    msq = jax.ops.segment_sum(m * m, dst, N_NODES) / degc[:, None]
    std = jnp.sqrt(jax.nn.relu(msq - mean * mean) + 1e-5)
    mn = jax.ops.segment_min(m, dst, N_NODES)
    mx = jax.ops.segment_max(m, dst, N_NODES)
    has = (deg > 0)[:, None]
    mn = jnp.where(has, mn, 0.0)
    mx = jnp.where(has, mx, 0.0)
    agg = jnp.concatenate([mean, mn, mx, std], axis=-1)  # [N, 4*HID]
    logd = jnp.log(deg + 1.0)
    amp = (logd / DELTA)[:, None]
    att = (DELTA / jnp.maximum(logd, 1e-6))[:, None]
    out = jnp.concatenate([agg, agg * amp, agg * att], axis=-1)  # [N, 12*HID]
    out = jnp.concatenate([h, out], axis=-1) @ Wpost + bpost      # post_nn (post_layers=1)
    out = out @ Wlin + blin                                        # final per-conv linear
    return out


def reference(x, edge_index, batch, emb_tables, W_pre, b_pre, W_post, b_post, W_lin, b_lin, bn_gamma, bn_beta, W_mlp, b_mlp):
    # AtomEncoder: sum of per-feature embeddings
    h = emb_tables[0][x[:, 0]]
    for i in range(1, 9):
        h = h + emb_tables[i][x[:, i]]
    src, dst = edge_index[0], edge_index[1]
    for l in range(NUM_LAYERS):
        x_h = h
        h = _pna_conv(h, src, dst, W_pre[l], b_pre[l], W_post[l], b_post[l], W_lin[l], b_lin[l])
        mu = jnp.mean(h, axis=0)
        var = jnp.var(h, axis=0)
        h = (h - mu) / jnp.sqrt(var + 1e-5) * bn_gamma[l] + bn_beta[l]
        h = jax.nn.relu(h)
        h = x_h + h  # dropout is identity in eval mode
    cnt = jax.ops.segment_sum(jnp.ones((N_NODES,), jnp.float32), batch, N_GRAPHS)
    pooled = jax.ops.segment_sum(h, batch, N_GRAPHS) / jnp.maximum(cnt, 1.0)[:, None]
    return pooled @ W_mlp + b_mlp

if __name__ == "__main__":
    import jax
    _d = setup_inputs()
    print(jax.jit(kernel)(*tuple(_d.values())))

</pallas_src>

<mosaic_0001>
module attributes {stable_mosaic.version = 14 : i64} {
  func.func @_pre_body(%arg0: i32, %arg1: memref<1000x128xf32, #tpu.memory_space<vmem>>, %arg2: memref<256x128xf32, #tpu.memory_space<vmem>>, %arg3: memref<1x128xf32, #tpu.memory_space<vmem>>, %arg4: memref<1000x128xf32, #tpu.memory_space<vmem>>, %arg5: memref<1000x128xf32, #tpu.memory_space<vmem>>) attributes {dimension_semantics = [#tpu.dimension_semantics<arbitrary>], iteration_bounds = array<i64: 10>, scalar_prefetch = 0 : i64, scratch_operands = 0 : i64, tpu.core_type = #tpu.core_type<tc>, window_params = [{transform_indices = @transform_0, window_bounds = array<i64: 1000, 128>}, {pipeline_mode = #tpu.pipeline_mode<synchronous>, transform_indices = @transform_1, window_bounds = array<i64: 256, 128>}, {pipeline_mode = #tpu.pipeline_mode<synchronous>, transform_indices = @transform_2, window_bounds = array<i64: 1, 128>}, {transform_indices = @transform_3, window_bounds = array<i64: 1000, 128>}, {transform_indices = @transform_4, window_bounds = array<i64: 1000, 128>}]} {
    %get3A = arith.constant 0 : index
    %get3A_0 = arith.constant 0 : index
    %get3A_1 = vector.load %arg1[%get3A, %get3A_0] : memref<1000x128xf32, #tpu.memory_space<vmem>>, vector<1000x128xf32>
    %get3A_2 = arith.constant 0 : index
    %get3A_3 = arith.constant 0 : index
    %get3A_4 = vector.load %arg2[%get3A_2, %get3A_3] : memref<256x128xf32, #tpu.memory_space<vmem>>, vector<128x128xf32>
    %get3A_5 = arith.constant 128 : index
    %get3A_6 = arith.constant 0 : index
    %get3A_7 = vector.load %arg2[%get3A_5, %get3A_6] : memref<256x128xf32, #tpu.memory_space<vmem>>, vector<128x128xf32>
    %dot_general3A = arith.constant dense<0.000000e+00> : vector<1000x128xf32>
    %dot_general3A_8 = tpu.matmul %get3A_1, %get3A_4, %dot_general3A {dimension_numbers = #tpu.dot_dimension_numbers<[1], [0], [0], [1], [0, 0, 1, 1], [], []>, transpose_lhs_hint = false} : vector<1000x128xf32>, vector<128x128xf32>, vector<1000x128xf32> -> vector<1000x128xf32>
    %get3A_9 = arith.constant 0 : index
    %get3A_10 = arith.constant 0 : index
    %get3A_11 = vector.load %arg3[%get3A_9, %get3A_10] : memref<1x128xf32, #tpu.memory_space<vmem>>, vector<1x128xf32>
    %add3A = vector.broadcast %get3A_11 : vector<1x128xf32> to vector<1000x128xf32>
    %add3A_12 = arith.addf %dot_general3A_8, %add3A : vector<1000x128xf32>
    %swap3A = arith.constant 0 : index
    %swap3A_13 = arith.constant 0 : index
    %swap3A_14 = vector.load %arg4[%swap3A, %swap3A_13] : memref<1000x128xf32, #tpu.memory_space<vmem>>, vector<1000x128xf32>
    tpu.vector_store %arg4[%swap3A, %swap3A_13], %add3A_12 {strides = array<i32>} : memref<1000x128xf32, #tpu.memory_space<vmem>>, vector<1000x128xf32>,
    %dot_general3A_15 = arith.constant dense<0.000000e+00> : vector<1000x128xf32>
    %dot_general3A_16 = tpu.matmul %get3A_1, %get3A_7, %dot_general3A_15 {dimension_numbers = #tpu.dot_dimension_numbers<[1], [0], [0], [1], [0, 0, 1, 1], [], []>, transpose_lhs_hint = false} : vector<1000x128xf32>, vector<128x128xf32>, vector<1000x128xf32> -> vector<1000x128xf32>
    %swap3A_17 = arith.constant 0 : index
    %swap3A_18 = arith.constant 0 : index
    %swap3A_19 = vector.load %arg5[%swap3A_17, %swap3A_18] : memref<1000x128xf32, #tpu.memory_space<vmem>>, vector<1000x128xf32>
    tpu.vector_store %arg5[%swap3A_17, %swap3A_18], %dot_general3A_16 {strides = array<i32>} : memref<1000x128xf32, #tpu.memory_space<vmem>>, vector<1000x128xf32>,
    return
  }
  func.func @transform_0(%arg0: i32) -> (i32, i32) {
    %c0_i32 = arith.constant 0 : i32
    %c0_i32_0 = arith.constant 0 : i32
    return %arg0, %c0_i32 : i32, i32
  }
  func.func @transform_1(%arg0: i32) -> (i32, i32) {
    %c0_i32 = arith.constant 0 : i32
    %c0_i32_0 = arith.constant 0 : i32
    %c0_i32_1 = arith.constant 0 : i32
    return %c0_i32, %c0_i32_0 : i32, i32
  }
  func.func @transform_2(%arg0: i32) -> (i32, i32) {
    %c0_i32 = arith.constant 0 : i32
    %c0_i32_0 = arith.constant 0 : i32
    %c0_i32_1 = arith.constant 0 : i32
    return %c0_i32, %c0_i32_0 : i32, i32
  }
  func.func @transform_3(%arg0: i32) -> (i32, i32) {
    %c0_i32 = arith.constant 0 : i32
    %c0_i32_0 = arith.constant 0 : i32
    return %arg0, %c0_i32 : i32, i32
  }
  func.func @transform_4(%arg0: i32) -> (i32, i32) {
    %c0_i32 = arith.constant 0 : i32
    %c0_i32_0 = arith.constant 0 : i32
    return %arg0, %c0_i32 : i32, i32
  }
}

module attributes {stable_mosaic.version = 14 : i64} {
  func.func @_seg_body(%arg0: i32, %arg1: memref<256x128xf32, #tpu.memory_space<vmem>>, %arg2: memref<256x1xi32, #tpu.memory_space<vmem>>, %arg3: memref<256x1xf32, #tpu.memory_space<vmem>>, %arg4: memref<256xi32, #tpu.memory_space<smem>>, %arg5: memref<128xi32, #tpu.memory_space<smem>>, %arg6: memref<10000x256xf32, #tpu.memory_space<vmem>>, %arg7: memref<10000x256xf32, #tpu.memory_space<vmem>>, %arg8: memref<256x256xf32, #tpu.memory_space<vmem>>, %arg9: memref<256x256xf32, #tpu.memory_space<vmem>>) attributes {dimension_semantics = [#tpu.dimension_semantics<arbitrary>], iteration_bounds = array<i64: 1250>, scalar_prefetch = 0 : i64, scratch_operands = 2 : i64, tpu.core_type = #tpu.core_type<tc>, window_params = [{transform_indices = @transform_0, window_bounds = array<i64: 256, 128>}, {transform_indices = @transform_1, window_bounds = array<i64: 256, 1>}, {transform_indices = @transform_2, window_bounds = array<i64: 256, 1>}, {transform_indices = @transform_3, window_bounds = array<i64: 256>}, {transform_indices = @transform_4, window_bounds = array<i64: 128>}, {pipeline_mode = #tpu.pipeline_mode<synchronous>, transform_indices = @transform_5, window_bounds = array<i64: 10000, 256>}, {pipeline_mode = #tpu.pipeline_mode<synchronous>, transform_indices = @transform_6, window_bounds = array<i64: 10000, 256>}]} {
    %eq3A = arith.constant 0 : i32
    %eq3A_0 = arith.cmpi eq, %arg0, %eq3A : i32
    %convert_element_type3A = arith.extui %eq3A_0 : i1 to i32
    %cond3A = arith.constant 0 : i32
    %cond3A_1 = arith.cmpi ne, %convert_element_type3A, %cond3A : i32
    scf.if %cond3A_1 {
      %broadcast_in_dim3A_160 = arith.constant 0.000000e+00 : f32
      %broadcast_in_dim3A_161 = vector.broadcast %broadcast_in_dim3A_160 : f32 to vector<10000x256xf32>
      %swap3A_162 = arith.constant 0 : index
      %swap3A_163 = arith.constant 0 : index
      %swap3A_164 = vector.load %arg6[%swap3A_162, %swap3A_163] : memref<10000x256xf32, #tpu.memory_space<vmem>>, vector<10000x256xf32>
      tpu.vector_store %arg6[%swap3A_162, %swap3A_163], %broadcast_in_dim3A_161 {strides = array<i32>} : memref<10000x256xf32, #tpu.memory_space<vmem>>, vector<10000x256xf32>,
      %broadcast_in_dim3A_165 = arith.constant 3.000000e+38 : f32
      %broadcast_in_dim3A_166 = vector.broadcast %broadcast_in_dim3A_165 : f32 to vector<10000x256xf32>
      %swap3A_167 = arith.constant 0 : index
      %swap3A_168 = arith.constant 0 : index
      %swap3A_169 = vector.load %arg7[%swap3A_167, %swap3A_168] : memref<10000x256xf32, #tpu.memory_space<vmem>>, vector<10000x256xf32>
      tpu.vector_store %arg7[%swap3A_167, %swap3A_168], %broadcast_in_dim3A_166 {strides = array<i32>} : memref<10000x256xf32, #tpu.memory_space<vmem>>, vector<10000x256xf32>,
    } else {
    }
    %get3A = arith.constant 0 : index
    %get3A_2 = arith.constant 0 : index
    %get3A_3 = vector.load %arg1[%get3A, %get3A_2] : memref<256x128xf32, #tpu.memory_space<vmem>>, vector<256x128xf32>
    %get3A_4 = arith.constant 0 : index
    %get3A_5 = arith.constant 0 : index
    %get3A_6 = vector.load %arg2[%get3A_4, %get3A_5] : memref<256x1xi32, #tpu.memory_space<vmem>>, vector<256x1xi32>
    %get3A_7 = arith.constant 0 : index
    %get3A_8 = arith.constant 0 : index
    %get3A_9 = vector.load %arg3[%get3A_7, %get3A_8] : memref<256x1xf32, #tpu.memory_space<vmem>>, vector<256x1xf32>
    %mul3A = arith.mulf %get3A_3, %get3A_3 : vector<256x128xf32>
    %concatenate3A = tpu.concatenate %get3A_3, %mul3A in 1 : vector<256x128xf32>, vector<256x128xf32> -> vector<256x256xf32>
    %neg3A = arith.constant 0.000000e+00 : f32
    %neg3A_10 = vector.broadcast %neg3A : f32 to vector<256x128xf32>
    %neg3A_11 = arith.subf %neg3A_10, %get3A_3 : vector<256x128xf32>
    %concatenate3A_12 = tpu.concatenate %get3A_3, %neg3A_11 in 1 : vector<256x128xf32>, vector<256x128xf32> -> vector<256x256xf32>
    %iota3A = tpu.iota {dimensions = array<i32: 1>} : vector<256x256xi32>
    %eq3A_13 = vector.broadcast %get3A_6 : vector<256x1xi32> to vector<256x256xi32>
    %eq3A_14 = arith.cmpi eq, %eq3A_13, %iota3A : vector<256x256xi32>
    %convert_element_type3A_15 = arith.extui %eq3A_14 : vector<256x256xi1> to vector<256x256xi32>
    %convert_element_type3A_16 = arith.sitofp %convert_element_type3A_15 : vector<256x256xi32> to vector<256x256xf32>
    %dot_general3A = arith.constant dense<0.000000e+00> : vector<256x256xf32>
    %dot_general3A_17 = tpu.matmul %convert_element_type3A_16, %concatenate3A, %dot_general3A {dimension_numbers = #tpu.dot_dimension_numbers<[0], [0], [1], [1], [0, 1, 1, 1], [], []>, transpose_lhs_hint = false} : vector<256x256xf32>, vector<256x256xf32>, vector<256x256xf32> -> vector<256x256xf32>
    %swap3A = arith.constant 0 : index
    %swap3A_18 = arith.constant 0 : index
    %swap3A_19 = vector.load %arg8[%swap3A, %swap3A_18] : memref<256x256xf32, #tpu.memory_space<vmem>>, vector<256x256xf32>
    tpu.vector_store %arg8[%swap3A, %swap3A_18], %dot_general3A_17 {strides = array<i32>} : memref<256x256xf32, #tpu.memory_space<vmem>>, vector<256x256xf32>,
    %slice3A = vector.extract_strided_slice %concatenate3A_12 {offsets = [1, 0], sizes = [255, 256], strides = [1, 1]} : vector<256x256xf32> to vector<255x256xf32>
    %broadcast_in_dim3A = arith.constant 3.000000e+38 : f32
    %broadcast_in_dim3A_20 = vector.broadcast %broadcast_in_dim3A : f32 to vector<1x256xf32>
    %concatenate3A_21 = tpu.concatenate %slice3A, %broadcast_in_dim3A_20 in 0 : vector<255x256xf32>, vector<1x256xf32> -> vector<256x256xf32>
    %slice3A_22 = vector.extract_strided_slice %get3A_6 {offsets = [1, 0], sizes = [255, 1], strides = [1, 1]} : vector<256x1xi32> to vector<255x1xi32>
    %broadcast_in_dim3A_23 = arith.constant -1 : i32
    %broadcast_in_dim3A_24 = vector.broadcast %broadcast_in_dim3A_23 : i32 to vector<1x1xi32>
    %concatenate3A_25 = tpu.concatenate %slice3A_22, %broadcast_in_dim3A_24 in 0 : vector<255x1xi32>, vector<1x1xi32> -> vector<256x1xi32>
    %eq3A_26 = arith.cmpi eq, %concatenate3A_25, %get3A_6 : vector<256x1xi32>
    %jit3A = arith.constant 3.000000e+38 : f32
    %broadcast_in_dim3A_27 = vector.shape_cast %eq3A_26 : vector<256x1xi1> to vector<256x1xi1>
    %broadcast_in_dim3A_28 = vector.broadcast %broadcast_in_dim3A_27 : vector<256x1xi1> to vector<256x256xi1>
    %broadcast_in_dim3A_29 = vector.broadcast %jit3A : f32 to vector<256x256xf32>
    %select_n3A = arith.select %broadcast_in_dim3A_28, %concatenate3A_21, %broadcast_in_dim3A_29 : vector<256x256xi1>, vector<256x256xf32>
    %min3A = arith.minimumf %concatenate3A_12, %select_n3A : vector<256x256xf32>
    %slice3A_30 = vector.extract_strided_slice %min3A {offsets = [2, 0], sizes = [254, 256], strides = [1, 1]} : vector<256x256xf32> to vector<254x256xf32>
    %broadcast_in_dim3A_31 = arith.constant 3.000000e+38 : f32
    %broadcast_in_dim3A_32 = vector.broadcast %broadcast_in_dim3A_31 : f32 to vector<2x256xf32>
    %concatenate3A_33 = tpu.concatenate %slice3A_30, %broadcast_in_dim3A_32 in 0 : vector<254x256xf32>, vector<2x256xf32> -> vector<256x256xf32>
    %slice3A_34 = vector.extract_strided_slice %get3A_6 {offsets = [2, 0], sizes = [254, 1], strides = [1, 1]} : vector<256x1xi32> to vector<254x1xi32>
    %broadcast_in_dim3A_35 = arith.constant -1 : i32
    %broadcast_in_dim3A_36 = vector.broadcast %broadcast_in_dim3A_35 : i32 to vector<2x1xi32>
    %concatenate3A_37 = tpu.concatenate %slice3A_34, %broadcast_in_dim3A_36 in 0 : vector<254x1xi32>, vector<2x1xi32> -> vector<256x1xi32>
    %eq3A_38 = arith.cmpi eq, %concatenate3A_37, %get3A_6 : vector<256x1xi32>
    %jit3A_39 = arith.constant 3.000000e+38 : f32
    %broadcast_in_dim3A_40 = vector.shape_cast %eq3A_38 : vector<256x1xi1> to vector<256x1xi1>
    %broadcast_in_dim3A_41 = vector.broadcast %broadcast_in_dim3A_40 : vector<256x1xi1> to vector<256x256xi1>
    %broadcast_in_dim3A_42 = vector.broadcast %jit3A_39 : f32 to vector<256x256xf32>
    %select_n3A_43 = arith.select %broadcast_in_dim3A_41, %concatenate3A_33, %broadcast_in_dim3A_42 : vector<256x256xi1>, vector<256x256xf32>
    %min3A_44 = arith.minimumf %min3A, %select_n3A_43 : vector<256x256xf32>
    %slice3A_45 = vector.extract_strided_slice %min3A_44 {offsets = [4, 0], sizes = [252, 256], strides = [1, 1]} : vector<256x256xf32> to vector<252x256xf32>
    %broadcast_in_dim3A_46 = arith.constant 3.000000e+38 : f32
    %broadcast_in_dim3A_47 = vector.broadcast %broadcast_in_dim3A_46 : f32 to vector<4x256xf32>
    %concatenate3A_48 = tpu.concatenate %slice3A_45, %broadcast_in_dim3A_47 in 0 : vector<252x256xf32>, vector<4x256xf32> -> vector<256x256xf32>
    %slice3A_49 = vector.extract_strided_slice %get3A_6 {offsets = [4, 0], sizes = [252, 1], strides = [1, 1]} : vector<256x1xi32> to vector<252x1xi32>
    %broadcast_in_dim3A_50 = arith.constant -1 : i32
    %broadcast_in_dim3A_51 = vector.broadcast %broadcast_in_dim3A_50 : i32 to vector<4x1xi32>
    %concatenate3A_52 = tpu.concatenate %slice3A_49, %broadcast_in_dim3A_51 in 0 : vector<252x1xi32>, vector<4x1xi32> -> vector<256x1xi32>
    %eq3A_53 = arith.cmpi eq, %concatenate3A_52, %get3A_6 : vector<256x1xi32>
    %jit3A_54 = arith.constant 3.000000e+38 : f32
    %broadcast_in_dim3A_55 = vector.shape_cast %eq3A_53 : vector<256x1xi1> to vector<256x1xi1>
    %broadcast_in_dim3A_56 = vector.broadcast %broadcast_in_dim3A_55 : vector<256x1xi1> to vector<256x256xi1>
    %broadcast_in_dim3A_57 = vector.broadcast %jit3A_54 : f32 to vector<256x256xf32>
    %select_n3A_58 = arith.select %broadcast_in_dim3A_56, %concatenate3A_48, %broadcast_in_dim3A_57 : vector<256x256xi1>, vector<256x256xf32>
    %min3A_59 = arith.minimumf %min3A_44, %select_n3A_58 : vector<256x256xf32>
    %slice3A_60 = vector.extract_strided_slice %min3A_59 {offsets = [8, 0], sizes = [248, 256], strides = [1, 1]} : vector<256x256xf32> to vector<248x256xf32>
    %broadcast_in_dim3A_61 = arith.constant 3.000000e+38 : f32
    %broadcast_in_dim3A_62 = vector.broadcast %broadcast_in_dim3A_61 : f32 to vector<8x256xf32>
    %concatenate3A_63 = tpu.concatenate %slice3A_60, %broadcast_in_dim3A_62 in 0 : vector<248x256xf32>, vector<8x256xf32> -> vector<256x256xf32>
    %slice3A_64 = vector.extract_strided_slice %get3A_6 {offsets = [8, 0], sizes = [248, 1], strides = [1, 1]} : vector<256x1xi32> to vector<248x1xi32>
    %broadcast_in_dim3A_65 = arith.constant -1 : i32
    %broadcast_in_dim3A_66 = vector.broadcast %broadcast_in_dim3A_65 : i32 to vector<8x1xi32>
    %concatenate3A_67 = tpu.concatenate %slice3A_64, %broadcast_in_dim3A_66 in 0 : vector<248x1xi32>, vector<8x1xi32> -> vector<256x1xi32>
    %eq3A_68 = arith.cmpi eq, %concatenate3A_67, %get3A_6 : vector<256x1xi32>
    %jit3A_69 = arith.constant 3.000000e+38 : f32
    %broadcast_in_dim3A_70 = vector.shape_cast %eq3A_68 : vector<256x1xi1> to vector<256x1xi1>
    %broadcast_in_dim3A_71 = vector.broadcast %broadcast_in_dim3A_70 : vector<256x1xi1> to vector<256x256xi1>
    %broadcast_in_dim3A_72 = vector.broadcast %jit3A_69 : f32 to vector<256x256xf32>
    %select_n3A_73 = arith.select %broadcast_in_dim3A_71, %concatenate3A_63, %broadcast_in_dim3A_72 : vector<256x256xi1>, vector<256x256xf32>
    %min3A_74 = arith.minimumf %min3A_59, %select_n3A_73 : vector<256x256xf32>
    %slice3A_75 = vector.extract_strided_slice %min3A_74 {offsets = [16, 0], sizes = [240, 256], strides = [1, 1]} : vector<256x256xf32> to vector<240x256xf32>
    %broadcast_in_dim3A_76 = arith.constant 3.000000e+38 : f32
    %broadcast_in_dim3A_77 = vector.broadcast %broadcast_in_dim3A_76 : f32 to vector<16x256xf32>
    %concatenate3A_78 = tpu.concatenate %slice3A_75, %broadcast_in_dim3A_77 in 0 : vector<240x256xf32>, vector<16x256xf32> -> vector<256x256xf32>
    %slice3A_79 = vector.extract_strided_slice %get3A_6 {offsets = [16, 0], sizes = [240, 1], strides = [1, 1]} : vector<256x1xi32> to vector<240x1xi32>
    %broadcast_in_dim3A_80 = arith.constant -1 : i32
    %broadcast_in_dim3A_81 = vector.broadcast %broadcast_in_dim3A_80 : i32 to vector<16x1xi32>
    %concatenate3A_82 = tpu.concatenate %slice3A_79, %broadcast_in_dim3A_81 in 0 : vector<240x1xi32>, vector<16x1xi32> -> vector<256x1xi32>
    %eq3A_83 = arith.cmpi eq, %concatenate3A_82, %get3A_6 : vector<256x1xi32>
    %jit3A_84 = arith.constant 3.000000e+38 : f32
    %broadcast_in_dim3A_85 = vector.shape_cast %eq3A_83 : vector<256x1xi1> to vector<256x1xi1>
    %broadcast_in_dim3A_86 = vector.broadcast %broadcast_in_dim3A_85 : vector<256x1xi1> to vector<256x256xi1>
    %broadcast_in_dim3A_87 = vector.broadcast %jit3A_84 : f32 to vector<256x256xf32>
    %select_n3A_88 = arith.select %broadcast_in_dim3A_86, %concatenate3A_78, %broadcast_in_dim3A_87 : vector<256x256xi1>, vector<256x256xf32>
    %min3A_89 = arith.minimumf %min3A_74, %select_n3A_88 : vector<256x256xf32>
    %slice3A_90 = vector.extract_strided_slice %min3A_89 {offsets = [32, 0], sizes = [224, 256], strides = [1, 1]} : vector<256x256xf32> to vector<224x256xf32>
    %broadcast_in_dim3A_91 = arith.constant 3.000000e+38 : f32
    %broadcast_in_dim3A_92 = vector.broadcast %broadcast_in_dim3A_91 : f32 to vector<32x256xf32>
    %concatenate3A_93 = tpu.concatenate %slice3A_90, %broadcast_in_dim3A_92 in 0 : vector<224x256xf32>, vector<32x256xf32> -> vector<256x256xf32>
    %slice3A_94 = vector.extract_strided_slice %get3A_6 {offsets = [32, 0], sizes = [224, 1], strides = [1, 1]} : vector<256x1xi32> to vector<224x1xi32>
    %broadcast_in_dim3A_95 = arith.constant -1 : i32
    %broadcast_in_dim3A_96 = vector.broadcast %broadcast_in_dim3A_95 : i32 to vector<32x1xi32>
    %concatenate3A_97 = tpu.concatenate %slice3A_94, %broadcast_in_dim3A_96 in 0 : vector<224x1xi32>, vector<32x1xi32> -> vector<256x1xi32>
    %eq3A_98 = arith.cmpi eq, %concatenate3A_97, %get3A_6 : vector<256x1xi32>
    %jit3A_99 = arith.constant 3.000000e+38 : f32
    %broadcast_in_dim3A_100 = vector.shape_cast %eq3A_98 : vector<256x1xi1> to vector<256x1xi1>
    %broadcast_in_dim3A_101 = vector.broadcast %broadcast_in_dim3A_100 : vector<256x1xi1> to vector<256x256xi1>
    %broadcast_in_dim3A_102 = vector.broadcast %jit3A_99 : f32 to vector<256x256xf32>
    %select_n3A_103 = arith.select %broadcast_in_dim3A_101, %concatenate3A_93, %broadcast_in_dim3A_102 : vector<256x256xi1>, vector<256x256xf32>
    %min3A_104 = arith.minimumf %min3A_89, %select_n3A_103 : vector<256x256xf32>
    %slice3A_105 = vector.extract_strided_slice %min3A_104 {offsets = [64, 0], sizes = [192, 256], strides = [1, 1]} : vector<256x256xf32> to vector<192x256xf32>
    %broadcast_in_dim3A_106 = arith.constant 3.000000e+38 : f32
    %broadcast_in_dim3A_107 = vector.broadcast %broadcast_in_dim3A_106 : f32 to vector<64x256xf32>
    %concatenate3A_108 = tpu.concatenate %slice3A_105, %broadcast_in_dim3A_107 in 0 : vector<192x256xf32>, vector<64x256xf32> -> vector<256x256xf32>
    %slice3A_109 = vector.extract_strided_slice %get3A_6 {offsets = [64, 0], sizes = [192, 1], strides = [1, 1]} : vector<256x1xi32> to vector<192x1xi32>
    %broadcast_in_dim3A_110 = arith.constant -1 : i32
    %broadcast_in_dim3A_111 = vector.broadcast %broadcast_in_dim3A_110 : i32 to vector<64x1xi32>
    %concatenate3A_112 = tpu.concatenate %slice3A_109, %broadcast_in_dim3A_111 in 0 : vector<192x1xi32>, vector<64x1xi32> -> vector<256x1xi32>
    %eq3A_113 = arith.cmpi eq, %concatenate3A_112, %get3A_6 : vector<256x1xi32>
    %jit3A_114 = arith.constant 3.000000e+38 : f32
    %broadcast_in_dim3A_115 = vector.shape_cast %eq3A_113 : vector<256x1xi1> to vector<256x1xi1>
    %broadcast_in_dim3A_116 = vector.broadcast %broadcast_in_dim3A_115 : vector<256x1xi1> to vector<256x256xi1>
    %broadcast_in_dim3A_117 = vector.broadcast %jit3A_114 : f32 to vector<256x256xf32>
    %select_n3A_118 = arith.select %broadcast_in_dim3A_116, %concatenate3A_108, %broadcast_in_dim3A_117 : vector<256x256xi1>, vector<256x256xf32>
    %min3A_119 = arith.minimumf %min3A_104, %select_n3A_118 : vector<256x256xf32>
    %slice3A_120 = vector.extract_strided_slice %min3A_119 {offsets = [128, 0], sizes = [128, 256], strides = [1, 1]} : vector<256x256xf32> to vector<128x256xf32>
    %broadcast_in_dim3A_121 = arith.constant 3.000000e+38 : f32
    %broadcast_in_dim3A_122 = vector.broadcast %broadcast_in_dim3A_121 : f32 to vector<128x256xf32>
    %concatenate3A_123 = tpu.concatenate %slice3A_120, %broadcast_in_dim3A_122 in 0 : vector<128x256xf32>, vector<128x256xf32> -> vector<256x256xf32>
    %slice3A_124 = vector.extract_strided_slice %get3A_6 {offsets = [128, 0], sizes = [128, 1], strides = [1, 1]} : vector<256x1xi32> to vector<128x1xi32>
    %broadcast_in_dim3A_125 = arith.constant -1 : i32
    %broadcast_in_dim3A_126 = vector.broadcast %broadcast_in_dim3A_125 : i32 to vector<128x1xi32>
    %concatenate3A_127 = tpu.concatenate %slice3A_124, %broadcast_in_dim3A_126 in 0 : vector<128x1xi32>, vector<128x1xi32> -> vector<256x1xi32>
    %eq3A_128 = arith.cmpi eq, %concatenate3A_127, %get3A_6 : vector<256x1xi32>
    %jit3A_129 = arith.constant 3.000000e+38 : f32
    %broadcast_in_dim3A_130 = vector.shape_cast %eq3A_128 : vector<256x1xi1> to vector<256x1xi1>
    %broadcast_in_dim3A_131 = vector.broadcast %broadcast_in_dim3A_130 : vector<256x1xi1> to vector<256x256xi1>
    %broadcast_in_dim3A_132 = vector.broadcast %jit3A_129 : f32 to vector<256x256xf32>
    %select_n3A_133 = arith.select %broadcast_in_dim3A_131, %concatenate3A_123, %broadcast_in_dim3A_132 : vector<256x256xi1>, vector<256x256xf32>
    %min3A_134 = arith.minimumf %min3A_119, %select_n3A_133 : vector<256x256xf32>
    %mul3A_135 = vector.broadcast %get3A_9 : vector<256x1xf32> to vector<256x256xf32>
    %mul3A_136 = arith.mulf %convert_element_type3A_16, %mul3A_135 : vector<256x256xf32>
    %gt3A = arith.constant 0.000000e+00 : f32
    %gt3A_137 = vector.broadcast %gt3A : f32 to vector<256x1xf32>
    %gt3A_138 = arith.cmpf ogt, %get3A_9, %gt3A_137 : vector<256x1xf32>
    %jit3A_139 = arith.constant 0.000000e+00 : f32
    %broadcast_in_dim3A_140 = vector.shape_cast %gt3A_138 : vector<256x1xi1> to vector<256x1xi1>
    %broadcast_in_dim3A_141 = vector.broadcast %broadcast_in_dim3A_140 : vector<256x1xi1> to vector<256x256xi1>
    %broadcast_in_dim3A_142 = vector.broadcast %jit3A_139 : f32 to vector<256x256xf32>
    %select_n3A_143 = arith.select %broadcast_in_dim3A_141, %min3A_134, %broadcast_in_dim3A_142 : vector<256x256xi1>, vector<256x256xf32>
    %dot_general3A_144 = arith.constant dense<0.000000e+00> : vector<256x256xf32>
    %dot_general3A_145 = tpu.matmul %mul3A_136, %select_n3A_143, %dot_general3A_144 {dimension_numbers = #tpu.dot_dimension_numbers<[0], [0], [1], [1], [0, 1, 1, 1], [], []>, transpose_lhs_hint = false} : vector<256x256xf32>, vector<256x256xf32>, vector<256x256xf32> -> vector<256x256xf32>
    %swap3A_146 = arith.constant 0 : index
    %swap3A_147 = arith.constant 0 : index
    %swap3A_148 = vector.load %arg9[%swap3A_146, %swap3A_147] : memref<256x256xf32, #tpu.memory_space<vmem>>, vector<256x256xf32>
    tpu.vector_store %arg9[%swap3A_146, %swap3A_147], %dot_general3A_145 {strides = array<i32>} : memref<256x256xf32, #tpu.memory_space<vmem>>, vector<256x256xf32>,
    %get3A_149 = arith.constant 0 : index
    %get3A_150 = memref.load %arg5[%get3A_149] : memref<128xi32, #tpu.memory_space<smem>>
    %while3A = arith.constant 0 : i32
    %while3A_151 = arith.constant 0 : i32
    %while3A_152 = arith.subi %get3A_150, %while3A_151 : i32
    %while3A_153 = arith.addi %while3A_151, %while3A_152 : i32
    %while3A_154 = arith.constant 1 : i32
    %while3A_155 = arith.divsi %while3A_152, %while3A_154 : i32
    %while3A_156 = arith.muli %while3A_155, %while3A_154 : i32
    %while3A_157 = arith.addi %while3A_151, %while3A_156 : i32
    %while3A_158 = arith.constant 1 : i32
    scf.for %while3A_160 = %while3A_151 to %while3A_157 step %while3A_158  : i32 {
      %get3A_161 = arith.index_cast %while3A_160 : i32 to index
      %get3A_162 = memref.load %arg4[%get3A_161] : memref<256xi32, #tpu.memory_space<smem>>
      %get3A_163 = arith.index_cast %get3A_162 : i32 to index
      %get3A_164 = arith.constant 0 : index
      %get3A_165 = vector.load %arg6[%get3A_163, %get3A_164] : memref<10000x256xf32, #tpu.memory_space<vmem>>, vector<1x256xf32>
      %get3A_166 = arith.index_cast %while3A_160 : i32 to index
      %get3A_167 = arith.constant 0 : index
      %get3A_168 = vector.load %arg8[%get3A_166, %get3A_167] : memref<256x256xf32, #tpu.memory_space<vmem>>, vector<1x256xf32>
      %add3A = arith.addf %get3A_165, %get3A_168 : vector<1x256xf32>
      %swap3A_169 = arith.index_cast %get3A_162 : i32 to index
      %swap3A_170 = arith.constant 0 : index
      %swap3A_171 = vector.load %arg6[%swap3A_169, %swap3A_170] : memref<10000x256xf32, #tpu.memory_space<vmem>>, vector<1x256xf32>
      tpu.vector_store %arg6[%swap3A_169, %swap3A_170], %add3A {strides = array<i32>} : memref<10000x256xf32, #tpu.memory_space<vmem>>, vector<1x256xf32>,
      %get3A_172 = arith.index_cast %get3A_162 : i32 to index
      %get3A_173 = arith.constant 0 : index
      %get3A_174 = vector.load %arg7[%get3A_172, %get3A_173] : memref<10000x256xf32, #tpu.memory_space<vmem>>, vector<1x256xf32>
      %get3A_175 = arith.index_cast %while3A_160 : i32 to index
      %get3A_176 = arith.constant 0 : index
      %get3A_177 = vector.load %arg9[%get3A_175, %get3A_176] : memref<256x256xf32, #tpu.memory_space<vmem>>, vector<1x256xf32>
      %min3A_178 = arith.minimumf %get3A_174, %get3A_177 : vector<1x256xf32>
      %swap3A_179 = arith.index_cast %get3A_162 : i32 to index
      %swap3A_180 = arith.constant 0 : index
      %swap3A_181 = vector.load %arg7[%swap3A_179, %swap3A_180] : memref<10000x256xf32, #tpu.memory_space<vmem>>, vector<1x256xf32>
      tpu.vector_store %arg7[%swap3A_179, %swap3A_180], %min3A_178 {strides = array<i32>} : memref<10000x256xf32, #tpu.memory_space<vmem>>, vector<1x256xf32>,
    }
    %while3A_159 = arith.constant 1 : i32
    scf.for %while3A_160 = %while3A_157 to %while3A_153 step %while3A_159  : i32 {
      %get3A_161 = arith.index_cast %while3A_160 : i32 to index
      %get3A_162 = memref.load %arg4[%get3A_161] : memref<256xi32, #tpu.memory_space<smem>>
      %get3A_163 = arith.index_cast %get3A_162 : i32 to index
      %get3A_164 = arith.constant 0 : index
      %get3A_165 = vector.load %arg6[%get3A_163, %get3A_164] : memref<10000x256xf32, #tpu.memory_space<vmem>>, vector<1x256xf32>
      %get3A_166 = arith.index_cast %while3A_160 : i32 to index
      %get3A_167 = arith.constant 0 : index
      %get3A_168 = vector.load %arg8[%get3A_166, %get3A_167] : memref<256x256xf32, #tpu.memory_space<vmem>>, vector<1x256xf32>
      %add3A = arith.addf %get3A_165, %get3A_168 : vector<1x256xf32>
      %swap3A_169 = arith.index_cast %get3A_162 : i32 to index
      %swap3A_170 = arith.constant 0 : index
      %swap3A_171 = vector.load %arg6[%swap3A_169, %swap3A_170] : memref<10000x256xf32, #tpu.memory_space<vmem>>, vector<1x256xf32>
      tpu.vector_store %arg6[%swap3A_169, %swap3A_170], %add3A {strides = array<i32>} : memref<10000x256xf32, #tpu.memory_space<vmem>>, vector<1x256xf32>,
      %get3A_172 = arith.index_cast %get3A_162 : i32 to index
      %get3A_173 = arith.constant 0 : index
      %get3A_174 = vector.load %arg7[%get3A_172, %get3A_173] : memref<10000x256xf32, #tpu.memory_space<vmem>>, vector<1x256xf32>
      %get3A_175 = arith.index_cast %while3A_160 : i32 to index
      %get3A_176 = arith.constant 0 : index
      %get3A_177 = vector.load %arg9[%get3A_175, %get3A_176] : memref<256x256xf32, #tpu.memory_space<vmem>>, vector<1x256xf32>
      %min3A_178 = arith.minimumf %get3A_174, %get3A_177 : vector<1x256xf32>
      %swap3A_179 = arith.index_cast %get3A_162 : i32 to index
      %swap3A_180 = arith.constant 0 : index
      %swap3A_181 = vector.load %arg7[%swap3A_179, %swap3A_180] : memref<10000x256xf32, #tpu.memory_space<vmem>>, vector<1x256xf32>
      tpu.vector_store %arg7[%swap3A_179, %swap3A_180], %min3A_178 {strides = array<i32>} : memref<10000x256xf32, #tpu.memory_space<vmem>>, vector<1x256xf32>,
    }
    return
  }
  func.func @transform_0(%arg0: i32) -> (i32, i32) {
    %c0_i32 = arith.constant 0 : i32
    %c0_i32_0 = arith.constant 0 : i32
    return %arg0, %c0_i32 : i32, i32
  }
  func.func @transform_1(%arg0: i32) -> (i32, i32) {
    %c0_i32 = arith.constant 0 : i32
    %c0_i32_0 = arith.constant 0 : i32
    return %arg0, %c0_i32 : i32, i32
  }
  func.func @transform_2(%arg0: i32) -> (i32, i32) {
    %c0_i32 = arith.constant 0 : i32
    %c0_i32_0 = arith.constant 0 : i32
    return %arg0, %c0_i32 : i32, i32
  }
  func.func @transform_3(%arg0: i32) -> i32 {
    %c0_i32 = arith.constant 0 : i32
    return %arg0 : i32
  }
  func.func @transform_4(%arg0: i32) -> i32 {
    %c0_i32 = arith.constant 0 : i32
    return %arg0 : i32
  }
  func.func @transform_5(%arg0: i32) -> (i32, i32) {
    %c0_i32 = arith.constant 0 : i32
    %c0_i32_0 = arith.constant 0 : i32
    %c0_i32_1 = arith.constant 0 : i32
    return %c0_i32, %c0_i32_0 : i32, i32
  }
  func.func @transform_6(%arg0: i32) -> (i32, i32) {
    %c0_i32 = arith.constant 0 : i32
    %c0_i32_0 = arith.constant 0 : i32
    %c0_i32_1 = arith.constant 0 : i32
    return %c0_i32, %c0_i32_0 : i32, i32
  }
}

module attributes {stable_mosaic.version = 14 : i64} {
  func.func @_post_body(%arg0: i32, %arg1: memref<1000x128xf32, #tpu.memory_space<vmem>>, %arg2: memref<1000x128xf32, #tpu.memory_space<vmem>>, %arg3: memref<1000x128xf32, #tpu.memory_space<vmem>>, %arg4: memref<1000x128xf32, #tpu.memory_space<vmem>>, %arg5: memref<1000x128xf32, #tpu.memory_space<vmem>>, %arg6: memref<1000x128xf32, #tpu.memory_space<vmem>>, %arg7: memref<1000x1xf32, #tpu.memory_space<vmem>>, %arg8: memref<1664x128xf32, #tpu.memory_space<vmem>>, %arg9: memref<1x128xf32, #tpu.memory_space<vmem>>, %arg10: memref<128x128xf32, #tpu.memory_space<vmem>>, %arg11: memref<1x128xf32, #tpu.memory_space<vmem>>, %arg12: memref<1000x128xf32, #tpu.memory_space<vmem>>, %arg13: memref<8x128xf32, #tpu.memory_space<vmem>>) attributes {dimension_semantics = [#tpu.dimension_semantics<arbitrary>], iteration_bounds = array<i64: 10>, scalar_prefetch = 0 : i64, scratch_operands = 0 : i64, tpu.core_type = #tpu.core_type<tc>, window_params = [{transform_indices = @transform_0, window_bounds = array<i64: 1000, 128>}, {transform_indices = @transform_1, window_bounds = array<i64: 1000, 128>}, {transform_indices = @transform_2, window_bounds = array<i64: 1000, 128>}, {transform_indices = @transform_3, window_bounds = array<i64: 1000, 128>}, {transform_indices = @transform_4, window_bounds = array<i64: 1000, 128>}, {transform_indices = @transform_5, window_bounds = array<i64: 1000, 128>}, {transform_indices = @transform_6, window_bounds = array<i64: 1000, 1>}, {pipeline_mode = #tpu.pipeline_mode<synchronous>, transform_indices = @transform_7, window_bounds = array<i64: 1664, 128>}, {pipeline_mode = #tpu.pipeline_mode<synchronous>, transform_indices = @transform_8, window_bounds = array<i64: 1, 128>}, {pipeline_mode = #tpu.pipeline_mode<synchronous>, transform_indices = @transform_9, window_bounds = array<i64: 128, 128>}, {pipeline_mode = #tpu.pipeline_mode<synchronous>, transform_indices = @transform_10, window_bounds = array<i64: 1, 128>}, {transform_indices = @transform_11, window_bounds = array<i64: 1000, 128>}, {pipeline_mode = #tpu.pipeline_mode<synchronous>, transform_indices = @transform_12, window_bounds = array<i64: 8, 128>}]} {
    %get3A = arith.constant 0 : index
    %get3A_0 = arith.constant 0 : index
    %get3A_1 = vector.load %arg1[%get3A, %get3A_0] : memref<1000x128xf32, #tpu.memory_space<vmem>>, vector<1000x128xf32>
    %get3A_2 = arith.constant 0 : index
    %get3A_3 = arith.constant 0 : index
    %get3A_4 = vector.load %arg2[%get3A_2, %get3A_3] : memref<1000x128xf32, #tpu.memory_space<vmem>>, vector<1000x128xf32>
    %get3A_5 = arith.constant 0 : index
    %get3A_6 = arith.constant 0 : index
    %get3A_7 = vector.load %arg3[%get3A_5, %get3A_6] : memref<1000x128xf32, #tpu.memory_space<vmem>>, vector<1000x128xf32>
    %get3A_8 = arith.constant 0 : index
    %get3A_9 = arith.constant 0 : index
    %get3A_10 = vector.load %arg4[%get3A_8, %get3A_9] : memref<1000x128xf32, #tpu.memory_space<vmem>>, vector<1000x128xf32>
    %get3A_11 = arith.constant 0 : index
    %get3A_12 = arith.constant 0 : index
    %get3A_13 = vector.load %arg7[%get3A_11, %get3A_12] : memref<1000x1xf32, #tpu.memory_space<vmem>>, vector<1000x1xf32>
    %max3A = arith.constant 1.000000e+00 : f32
    %max3A_14 = vector.broadcast %max3A : f32 to vector<1000x1xf32>
    %max3A_15 = arith.maximumf %get3A_13, %max3A_14 : vector<1000x1xf32>
    %gt3A = arith.constant 0.000000e+00 : f32
    %gt3A_16 = vector.broadcast %gt3A : f32 to vector<1000x1xf32>
    %gt3A_17 = arith.cmpf ogt, %get3A_13, %gt3A_16 : vector<1000x1xf32>
    %mul3A = vector.broadcast %get3A_13 : vector<1000x1xf32> to vector<1000x128xf32>
    %mul3A_18 = arith.mulf %mul3A, %get3A_4 : vector<1000x128xf32>
    %add3A = arith.addf %mul3A_18, %get3A_7 : vector<1000x128xf32>
    %div3A = vector.broadcast %max3A_15 : vector<1000x1xf32> to vector<1000x128xf32>
    %div3A_19 = arith.divf %add3A, %div3A : vector<1000x128xf32>
    %mul3A_20 = vector.broadcast %get3A_13 : vector<1000x1xf32> to vector<1000x128xf32>
    %mul3A_21 = arith.mulf %mul3A_20, %get3A_4 : vector<1000x128xf32>
    %mul3A_22 = arith.mulf %mul3A_21, %get3A_4 : vector<1000x128xf32>
    %mul3A_23 = arith.constant 2.000000e+00 : f32
    %mul3A_24 = vector.broadcast %mul3A_23 : f32 to vector<1000x128xf32>
    %mul3A_25 = arith.mulf %mul3A_24, %get3A_4 : vector<1000x128xf32>
    %mul3A_26 = arith.mulf %mul3A_25, %get3A_7 : vector<1000x128xf32>
    %add3A_27 = arith.addf %mul3A_22, %mul3A_26 : vector<1000x128xf32>
    %add3A_28 = arith.addf %add3A_27, %get3A_10 : vector<1000x128xf32>
    %div3A_29 = vector.broadcast %max3A_15 : vector<1000x1xf32> to vector<1000x128xf32>
    %div3A_30 = arith.divf %add3A_28, %div3A_29 : vector<1000x128xf32>
    %mul3A_31 = arith.mulf %div3A_19, %div3A_19 : vector<1000x128xf32>
    %sub3A = arith.subf %div3A_30, %mul3A_31 : vector<1000x128xf32>
    %max3A_32 = arith.constant 0.000000e+00 : f32
    %max3A_33 = vector.broadcast %max3A_32 : f32 to vector<1000x128xf32>
    %max3A_34 = arith.maximumf %sub3A, %max3A_33 : vector<1000x128xf32>
    %add3A_35 = arith.constant 9.99999974E-6 : f32
    %add3A_36 = vector.broadcast %add3A_35 : f32 to vector<1000x128xf32>
    %add3A_37 = arith.addf %max3A_34, %add3A_36 : vector<1000x128xf32>
    %sqrt3A = math.sqrt %add3A_37 : vector<1000x128xf32>
    %get3A_38 = arith.constant 0 : index
    %get3A_39 = arith.constant 0 : index
    %get3A_40 = vector.load %arg5[%get3A_38, %get3A_39] : memref<1000x128xf32, #tpu.memory_space<vmem>>, vector<1000x128xf32>
    %add3A_41 = arith.addf %get3A_4, %get3A_40 : vector<1000x128xf32>
    %jit3A = arith.constant 0.000000e+00 : f32
    %broadcast_in_dim3A = vector.shape_cast %gt3A_17 : vector<1000x1xi1> to vector<1000x1xi1>
    %broadcast_in_dim3A_42 = vector.broadcast %broadcast_in_dim3A : vector<1000x1xi1> to vector<1000x128xi1>
    %broadcast_in_dim3A_43 = vector.broadcast %jit3A : f32 to vector<1000x128xf32>
    %select_n3A = arith.select %broadcast_in_dim3A_42, %add3A_41, %broadcast_in_dim3A_43 : vector<1000x128xi1>, vector<1000x128xf32>
    %get3A_44 = arith.constant 0 : index
    %get3A_45 = arith.constant 0 : index
    %get3A_46 = vector.load %arg6[%get3A_44, %get3A_45] : memref<1000x128xf32, #tpu.memory_space<vmem>>, vector<1000x128xf32>
    %add3A_47 = arith.addf %get3A_4, %get3A_46 : vector<1000x128xf32>
    %jit3A_48 = arith.constant 0.000000e+00 : f32
    %broadcast_in_dim3A_49 = vector.shape_cast %gt3A_17 : vector<1000x1xi1> to vector<1000x1xi1>
    %broadcast_in_dim3A_50 = vector.broadcast %broadcast_in_dim3A_49 : vector<1000x1xi1> to vector<1000x128xi1>
    %broadcast_in_dim3A_51 = vector.broadcast %jit3A_48 : f32 to vector<1000x128xf32>
    %select_n3A_52 = arith.select %broadcast_in_dim3A_50, %add3A_47, %broadcast_in_dim3A_51 : vector<1000x128xi1>, vector<1000x128xf32>
    %concatenate3A = tpu.concatenate %div3A_19, %select_n3A, %select_n3A_52, %sqrt3A in 1 : vector<1000x128xf32>, vector<1000x128xf32>, vector<1000x128xf32>, vector<1000x128xf32> -> vector<1000x512xf32>
    %add3A_53 = arith.constant 1.000000e+00 : f32
    %add3A_54 = vector.broadcast %add3A_53 : f32 to vector<1000x1xf32>
    %add3A_55 = arith.addf %get3A_13, %add3A_54 : vector<1000x1xf32>
    %log3A = math.log %add3A_55 : vector<1000x1xf32>
    %div3A_56 = arith.constant 3.17298603 : f32
    %div3A_57 = vector.broadcast %div3A_56 : f32 to vector<1000x1xf32>
    %div3A_58 = arith.divf %log3A, %div3A_57 : vector<1000x1xf32>
    %max3A_59 = arith.constant 9.99999997E-7 : f32
    %max3A_60 = vector.broadcast %max3A_59 : f32 to vector<1000x1xf32>
    %max3A_61 = arith.maximumf %log3A, %max3A_60 : vector<1000x1xf32>
    %div3A_62 = arith.constant 3.17298603 : f32
    %div3A_63 = vector.broadcast %div3A_62 : f32 to vector<1000x1xf32>
    %div3A_64 = arith.divf %div3A_63, %max3A_61 : vector<1000x1xf32>
    %get3A_65 = arith.constant 0 : index
    %get3A_66 = arith.constant 0 : index
    %get3A_67 = vector.load %arg8[%get3A_65, %get3A_66] : memref<1664x128xf32, #tpu.memory_space<vmem>>, vector<128x128xf32>
    %get3A_68 = arith.constant 128 : index
    %get3A_69 = arith.constant 0 : index
    %get3A_70 = vector.load %arg8[%get3A_68, %get3A_69] : memref<1664x128xf32, #tpu.memory_space<vmem>>, vector<512x128xf32>
    %get3A_71 = arith.constant 640 : index
    %get3A_72 = arith.constant 0 : index
    %get3A_73 = vector.load %arg8[%get3A_71, %get3A_72] : memref<1664x128xf32, #tpu.memory_space<vmem>>, vector<512x128xf32>
    %get3A_74 = arith.constant 1152 : index
    %get3A_75 = arith.constant 0 : index
    %get3A_76 = vector.load %arg8[%get3A_74, %get3A_75] : memref<1664x128xf32, #tpu.memory_space<vmem>>, vector<512x128xf32>
    %dot_general3A = arith.constant dense<0.000000e+00> : vector<1000x128xf32>
    %dot_general3A_77 = tpu.matmul %get3A_1, %get3A_67, %dot_general3A {dimension_numbers = #tpu.dot_dimension_numbers<[1], [0], [0], [1], [0, 0, 1, 1], [], []>, transpose_lhs_hint = false} : vector<1000x128xf32>, vector<128x128xf32>, vector<1000x128xf32> -> vector<1000x128xf32>
    %dot_general3A_78 = arith.constant dense<0.000000e+00> : vector<1000x128xf32>
    %dot_general3A_79 = tpu.matmul %concatenate3A, %get3A_70, %dot_general3A_78 {dimension_numbers = #tpu.dot_dimension_numbers<[1], [0], [0], [1], [0, 0, 1, 1], [], []>, transpose_lhs_hint = false} : vector<1000x512xf32>, vector<512x128xf32>, vector<1000x128xf32> -> vector<1000x128xf32>
    %add3A_80 = arith.addf %dot_general3A_77, %dot_general3A_79 : vector<1000x128xf32>
    %dot_general3A_81 = arith.constant dense<0.000000e+00> : vector<1000x128xf32>
    %dot_general3A_82 = tpu.matmul %concatenate3A, %get3A_73, %dot_general3A_81 {dimension_numbers = #tpu.dot_dimension_numbers<[1], [0], [0], [1], [0, 0, 1, 1], [], []>, transpose_lhs_hint = false} : vector<1000x512xf32>, vector<512x128xf32>, vector<1000x128xf32> -> vector<1000x128xf32>
    %mul3A_83 = vector.broadcast %div3A_58 : vector<1000x1xf32> to vector<1000x128xf32>
    %mul3A_84 = arith.mulf %mul3A_83, %dot_general3A_82 : vector<1000x128xf32>
    %add3A_85 = arith.addf %add3A_80, %mul3A_84 : vector<1000x128xf32>
    %dot_general3A_86 = arith.constant dense<0.000000e+00> : vector<1000x128xf32>
    %dot_general3A_87 = tpu.matmul %concatenate3A, %get3A_76, %dot_general3A_86 {dimension_numbers = #tpu.dot_dimension_numbers<[1], [0], [0], [1], [0, 0, 1, 1], [], []>, transpose_lhs_hint = false} : vector<1000x512xf32>, vector<512x128xf32>, vector<1000x128xf32> -> vector<1000x128xf32>
    %mul3A_88 = vector.broadcast %div3A_64 : vector<1000x1xf32> to vector<1000x128xf32>
    %mul3A_89 = arith.mulf %mul3A_88, %dot_general3A_87 : vector<1000x128xf32>
    %add3A_90 = arith.addf %add3A_85, %mul3A_89 : vector<1000x128xf32>
    %get3A_91 = arith.constant 0 : index
    %get3A_92 = arith.constant 0 : index
    %get3A_93 = vector.load %arg9[%get3A_91, %get3A_92] : memref<1x128xf32, #tpu.memory_space<vmem>>, vector<1x128xf32>
    %add3A_94 = vector.broadcast %get3A_93 : vector<1x128xf32> to vector<1000x128xf32>
    %add3A_95 = arith.addf %add3A_90, %add3A_94 : vector<1000x128xf32>
    %get3A_96 = arith.constant 0 : index
    %get3A_97 = arith.constant 0 : index
    %get3A_98 = vector.load %arg10[%get3A_96, %get3A_97] : memref<128x128xf32, #tpu.memory_space<vmem>>, vector<128x128xf32>
    %dot_general3A_99 = arith.constant dense<0.000000e+00> : vector<1000x128xf32>
    %dot_general3A_100 = tpu.matmul %add3A_95, %get3A_98, %dot_general3A_99 {dimension_numbers = #tpu.dot_dimension_numbers<[1], [0], [0], [1], [0, 0, 1, 1], [], []>, transpose_lhs_hint = false} : vector<1000x128xf32>, vector<128x128xf32>, vector<1000x128xf32> -> vector<1000x128xf32>
    %get3A_101 = arith.constant 0 : index
    %get3A_102 = arith.constant 0 : index
    %get3A_103 = vector.load %arg11[%get3A_101, %get3A_102] : memref<1x128xf32, #tpu.memory_space<vmem>>, vector<1x128xf32>
    %add3A_104 = vector.broadcast %get3A_103 : vector<1x128xf32> to vector<1000x128xf32>
    %add3A_105 = arith.addf %dot_general3A_100, %add3A_104 : vector<1000x128xf32>
    %swap3A = arith.constant 0 : index
    %swap3A_106 = arith.constant 0 : index
    %swap3A_107 = vector.load %arg12[%swap3A, %swap3A_106] : memref<1000x128xf32, #tpu.memory_space<vmem>>, vector<1000x128xf32>
    tpu.vector_store %arg12[%swap3A, %swap3A_106], %add3A_105 {strides = array<i32>} : memref<1000x128xf32, #tpu.memory_space<vmem>>, vector<1000x128xf32>,
    %reduce_sum3A = arith.constant dense<0.000000e+00> : vector<128xf32>
    %reduce_sum3A_108 = vector.multi_reduction <add>, %add3A_105, %reduce_sum3A [0] : vector<1000x128xf32> to vector<128xf32>
    %broadcast_in_dim3A_109 = vector.shape_cast %reduce_sum3A_108 : vector<128xf32> to vector<1x128xf32>
    %mul3A_110 = arith.mulf %add3A_105, %add3A_105 : vector<1000x128xf32>
    %reduce_sum3A_111 = arith.constant dense<0.000000e+00> : vector<128xf32>
    %reduce_sum3A_112 = vector.multi_reduction <add>, %mul3A_110, %reduce_sum3A_111 [0] : vector<1000x128xf32> to vector<128xf32>
    %broadcast_in_dim3A_113 = vector.shape_cast %reduce_sum3A_112 : vector<128xf32> to vector<1x128xf32>
    %broadcast_in_dim3A_114 = arith.constant 0.000000e+00 : f32
    %broadcast_in_dim3A_115 = vector.broadcast %broadcast_in_dim3A_114 : f32 to vector<6x128xf32>
    %concatenate3A_116 = tpu.concatenate %broadcast_in_dim3A_109, %broadcast_in_dim3A_113, %broadcast_in_dim3A_115 in 0 : vector<1x128xf32>, vector<1x128xf32>, vector<6x128xf32> -> vector<8x128xf32>
    %eq3A = arith.constant 0 : i32
    %eq3A_117 = arith.cmpi eq, %arg0, %eq3A : i32
    %convert_element_type3A = arith.extui %eq3A_117 : i1 to i32
    %cond3A = arith.constant 0 : i32
    %cond3A_118 = arith.cmpi ne, %convert_element_type3A, %cond3A : i32
    scf.if %cond3A_118 {
      %broadcast_in_dim3A_126 = arith.constant 0.000000e+00 : f32
      %broadcast_in_dim3A_127 = vector.broadcast %broadcast_in_dim3A_126 : f32 to vector<8x128xf32>
      %swap3A_128 = arith.constant 0 : index
      %swap3A_129 = arith.constant 0 : index
      %swap3A_130 = vector.load %arg13[%swap3A_128, %swap3A_129] : memref<8x128xf32, #tpu.memory_space<vmem>>, vector<8x128xf32>
      tpu.vector_store %arg13[%swap3A_128, %swap3A_129], %broadcast_in_dim3A_127 {strides = array<i32>} : memref<8x128xf32, #tpu.memory_space<vmem>>, vector<8x128xf32>,
    } else {
    }
    %get3A_119 = arith.constant 0 : index
    %get3A_120 = arith.constant 0 : index
    %get3A_121 = vector.load %arg13[%get3A_119, %get3A_120] : memref<8x128xf32, #tpu.memory_space<vmem>>, vector<8x128xf32>
    %add3A_122 = arith.addf %get3A_121, %concatenate3A_116 : vector<8x128xf32>
    %swap3A_123 = arith.constant 0 : index
    %swap3A_124 = arith.constant 0 : index
    %swap3A_125 = vector.load %arg13[%swap3A_123, %swap3A_124] : memref<8x128xf32, #tpu.memory_space<vmem>>, vector<8x128xf32>
    tpu.vector_store %arg13[%swap3A_123, %swap3A_124], %add3A_122 {strides = array<i32>} : memref<8x128xf32, #tpu.memory_space<vmem>>, vector<8x128xf32>,
    return
  }
  func.func @transform_0(%arg0: i32) -> (i32, i32) {
    %c0_i32 = arith.constant 0 : i32
    %c0_i32_0 = arith.constant 0 : i32
    return %arg0, %c0_i32 : i32, i32
  }
  func.func @transform_1(%arg0: i32) -> (i32, i32) {
    %c0_i32 = arith.constant 0 : i32
    %c0_i32_0 = arith.constant 0 : i32
    return %arg0, %c0_i32 : i32, i32
  }
  func.func @transform_2(%arg0: i32) -> (i32, i32) {
    %c0_i32 = arith.constant 0 : i32
    %c0_i32_0 = arith.constant 0 : i32
    return %arg0, %c0_i32 : i32, i32
  }
  func.func @transform_3(%arg0: i32) -> (i32, i32) {
    %c0_i32 = arith.constant 0 : i32
    %c0_i32_0 = arith.constant 0 : i32
    return %arg0, %c0_i32 : i32, i32
  }
  func.func @transform_4(%arg0: i32) -> (i32, i32) {
    %c0_i32 = arith.constant 0 : i32
    %c0_i32_0 = arith.constant 0 : i32
    return %arg0, %c0_i32 : i32, i32
  }
  func.func @transform_5(%arg0: i32) -> (i32, i32) {
    %c0_i32 = arith.constant 0 : i32
    %c0_i32_0 = arith.constant 0 : i32
    return %arg0, %c0_i32 : i32, i32
  }
  func.func @transform_6(%arg0: i32) -> (i32, i32) {
    %c0_i32 = arith.constant 0 : i32
    %c0_i32_0 = arith.constant 0 : i32
    return %arg0, %c0_i32 : i32, i32
  }
  func.func @transform_7(%arg0: i32) -> (i32, i32) {
    %c0_i32 = arith.constant 0 : i32
    %c0_i32_0 = arith.constant 0 : i32
    %c0_i32_1 = arith.constant 0 : i32
    return %c0_i32, %c0_i32_0 : i32, i32
  }
  func.func @transform_8(%arg0: i32) -> (i32, i32) {
    %c0_i32 = arith.constant 0 : i32
    %c0_i32_0 = arith.constant 0 : i32
    %c0_i32_1 = arith.constant 0 : i32
    return %c0_i32, %c0_i32_0 : i32, i32
  }
  func.func @transform_9(%arg0: i32) -> (i32, i32) {
    %c0_i32 = arith.constant 0 : i32
    %c0_i32_0 = arith.constant 0 : i32
    %c0_i32_1 = arith.constant 0 : i32
    return %c0_i32, %c0_i32_0 : i32, i32
  }
  func.func @transform_10(%arg0: i32) -> (i32, i32) {
    %c0_i32 = arith.constant 0 : i32
    %c0_i32_0 = arith.constant 0 : i32
    %c0_i32_1 = arith.constant 0 : i32
    return %c0_i32, %c0_i32_0 : i32, i32
  }
  func.func @transform_11(%arg0: i32) -> (i32, i32) {
    %c0_i32 = arith.constant 0 : i32
    %c0_i32_0 = arith.constant 0 : i32
    return %arg0, %c0_i32 : i32, i32
  }
  func.func @transform_12(%arg0: i32) -> (i32, i32) {
    %c0_i32 = arith.constant 0 : i32
    %c0_i32_0 = arith.constant 0 : i32
    %c0_i32_1 = arith.constant 0 : i32
    return %c0_i32, %c0_i32_0 : i32, i32
  }
}

module attributes {stable_mosaic.version = 14 : i64} {
  func.func @_bnres_body(%arg0: i32, %arg1: memref<1000x128xf32, #tpu.memory_space<vmem>>, %arg2: memref<1000x128xf32, #tpu.memory_space<vmem>>, %arg3: memref<8x128xf32, #tpu.memory_space<vmem>>, %arg4: memref<1x128xf32, #tpu.memory_space<vmem>>, %arg5: memref<1x128xf32, #tpu.memory_space<vmem>>, %arg6: memref<1000x128xf32, #tpu.memory_space<vmem>>) attributes {dimension_semantics = [#tpu.dimension_semantics<arbitrary>], iteration_bounds = array<i64: 10>, scalar_prefetch = 0 : i64, scratch_operands = 0 : i64, tpu.core_type = #tpu.core_type<tc>, window_params = [{transform_indices = @transform_0, window_bounds = array<i64: 1000, 128>}, {transform_indices = @transform_1, window_bounds = array<i64: 1000, 128>}, {pipeline_mode = #tpu.pipeline_mode<synchronous>, transform_indices = @transform_2, window_bounds = array<i64: 8, 128>}, {pipeline_mode = #tpu.pipeline_mode<synchronous>, transform_indices = @transform_3, window_bounds = array<i64: 1, 128>}, {pipeline_mode = #tpu.pipeline_mode<synchronous>, transform_indices = @transform_4, window_bounds = array<i64: 1, 128>}, {transform_indices = @transform_5, window_bounds = array<i64: 1000, 128>}]} {
    %get3A = arith.constant 0 : index
    %get3A_0 = arith.constant 0 : index
    %get3A_1 = vector.load %arg1[%get3A, %get3A_0] : memref<1000x128xf32, #tpu.memory_space<vmem>>, vector<1000x128xf32>
    %get3A_2 = arith.constant 0 : index
    %get3A_3 = arith.constant 0 : index
    %get3A_4 = vector.load %arg3[%get3A_2, %get3A_3] : memref<8x128xf32, #tpu.memory_space<vmem>>, vector<1x128xf32>
    %div3A = arith.constant 1.000000e+04 : f32
    %div3A_5 = vector.broadcast %div3A : f32 to vector<1x128xf32>
    %div3A_6 = arith.divf %get3A_4, %div3A_5 : vector<1x128xf32>
    %get3A_7 = arith.constant 1 : index
    %get3A_8 = arith.constant 0 : index
    %get3A_9 = vector.load %arg3[%get3A_7, %get3A_8] : memref<8x128xf32, #tpu.memory_space<vmem>>, vector<1x128xf32>
    %div3A_10 = arith.constant 1.000000e+04 : f32
    %div3A_11 = vector.broadcast %div3A_10 : f32 to vector<1x128xf32>
    %div3A_12 = arith.divf %get3A_9, %div3A_11 : vector<1x128xf32>
    %mul3A = arith.mulf %div3A_6, %div3A_6 : vector<1x128xf32>
    %sub3A = arith.subf %div3A_12, %mul3A : vector<1x128xf32>
    %sub3A_13 = vector.broadcast %div3A_6 : vector<1x128xf32> to vector<1000x128xf32>
    %sub3A_14 = arith.subf %get3A_1, %sub3A_13 : vector<1000x128xf32>
    %add3A = arith.constant 9.99999974E-6 : f32
    %add3A_15 = vector.broadcast %add3A : f32 to vector<1x128xf32>
    %add3A_16 = arith.addf %sub3A, %add3A_15 : vector<1x128xf32>
    %sqrt3A = math.sqrt %add3A_16 : vector<1x128xf32>
    %div3A_17 = vector.broadcast %sqrt3A : vector<1x128xf32> to vector<1000x128xf32>
    %div3A_18 = arith.divf %sub3A_14, %div3A_17 : vector<1000x128xf32>
    %get3A_19 = arith.constant 0 : index
    %get3A_20 = arith.constant 0 : index
    %get3A_21 = vector.load %arg4[%get3A_19, %get3A_20] : memref<1x128xf32, #tpu.memory_space<vmem>>, vector<1x128xf32>
    %mul3A_22 = vector.broadcast %get3A_21 : vector<1x128xf32> to vector<1000x128xf32>
    %mul3A_23 = arith.mulf %div3A_18, %mul3A_22 : vector<1000x128xf32>
    %get3A_24 = arith.constant 0 : index
    %get3A_25 = arith.constant 0 : index
    %get3A_26 = vector.load %arg5[%get3A_24, %get3A_25] : memref<1x128xf32, #tpu.memory_space<vmem>>, vector<1x128xf32>
    %add3A_27 = vector.broadcast %get3A_26 : vector<1x128xf32> to vector<1000x128xf32>
    %add3A_28 = arith.addf %mul3A_23, %add3A_27 : vector<1000x128xf32>
    %get3A_29 = arith.constant 0 : index
    %get3A_30 = arith.constant 0 : index
    %get3A_31 = vector.load %arg2[%get3A_29, %get3A_30] : memref<1000x128xf32, #tpu.memory_space<vmem>>, vector<1000x128xf32>
    %max3A = arith.constant 0.000000e+00 : f32
    %max3A_32 = vector.broadcast %max3A : f32 to vector<1000x128xf32>
    %max3A_33 = arith.maximumf %add3A_28, %max3A_32 : vector<1000x128xf32>
    %add3A_34 = arith.addf %get3A_31, %max3A_33 : vector<1000x128xf32>
    %swap3A = arith.constant 0 : index
    %swap3A_35 = arith.constant 0 : index
    %swap3A_36 = vector.load %arg6[%swap3A, %swap3A_35] : memref<1000x128xf32, #tpu.memory_space<vmem>>, vector<1000x128xf32>
    tpu.vector_store %arg6[%swap3A, %swap3A_35], %add3A_34 {strides = array<i32>} : memref<1000x128xf32, #tpu.memory_space<vmem>>, vector<1000x128xf32>,
    return
  }
  func.func @transform_0(%arg0: i32) -> (i32, i32) {
    %c0_i32 = arith.constant 0 : i32
    %c0_i32_0 = arith.constant 0 : i32
    return %arg0, %c0_i32 : i32, i32
  }
  func.func @transform_1(%arg0: i32) -> (i32, i32) {
    %c0_i32 = arith.constant 0 : i32
    %c0_i32_0 = arith.constant 0 : i32
    return %arg0, %c0_i32 : i32, i32
  }
  func.func @transform_2(%arg0: i32) -> (i32, i32) {
    %c0_i32 = arith.constant 0 : i32
    %c0_i32_0 = arith.constant 0 : i32
    %c0_i32_1 = arith.constant 0 : i32
    return %c0_i32, %c0_i32_0 : i32, i32
  }
  func.func @transform_3(%arg0: i32) -> (i32, i32) {
    %c0_i32 = arith.constant 0 : i32
    %c0_i32_0 = arith.constant 0 : i32
    %c0_i32_1 = arith.constant 0 : i32
    return %c0_i32, %c0_i32_0 : i32, i32
  }
  func.func @transform_4(%arg0: i32) -> (i32, i32) {
    %c0_i32 = arith.constant 0 : i32
    %c0_i32_0 = arith.constant 0 : i32
    %c0_i32_1 = arith.constant 0 : i32
    return %c0_i32, %c0_i32_0 : i32, i32
  }
  func.func @transform_5(%arg0: i32) -> (i32, i32) {
    %c0_i32 = arith.constant 0 : i32
    %c0_i32_0 = arith.constant 0 : i32
    return %arg0, %c0_i32 : i32, i32
  }
}

module attributes {stable_mosaic.version = 14 : i64} {
  func.func @_pool_body(%arg0: memref<10000x128xf32, #tpu.memory_space<vmem>>, %arg1: memref<1x10000xi32, #tpu.memory_space<vmem>>, %arg2: memref<128x128xf32, #tpu.memory_space<vmem>>, %arg3: memref<1x128xf32, #tpu.memory_space<vmem>>, %arg4: memref<512x128xf32, #tpu.memory_space<vmem>>) attributes {dimension_semantics = [], scalar_prefetch = 0 : i64, scratch_operands = 0 : i64, tpu.core_type = #tpu.core_type<tc>} {
    %get3A = arith.constant 0 : index
    %get3A_0 = arith.constant 0 : index
    %get3A_1 = vector.load %arg1[%get3A, %get3A_0] : memref<1x10000xi32, #tpu.memory_space<vmem>>, vector<1x10000xi32>
    %iota3A = tpu.iota {dimensions = array<i32: 0>} : vector<512x10000xi32>
    %eq3A = vector.broadcast %get3A_1 : vector<1x10000xi32> to vector<512x10000xi32>
    %eq3A_2 = arith.cmpi eq, %eq3A, %iota3A : vector<512x10000xi32>
    %convert_element_type3A = arith.extui %eq3A_2 : vector<512x10000xi1> to vector<512x10000xi32>
    %convert_element_type3A_3 = arith.sitofp %convert_element_type3A : vector<512x10000xi32> to vector<512x10000xf32>
    %reduce_sum3A = arith.constant dense<0.000000e+00> : vector<512xf32>
    %reduce_sum3A_4 = vector.multi_reduction <add>, %convert_element_type3A_3, %reduce_sum3A [1] : vector<512x10000xf32> to vector<512xf32>
    %broadcast_in_dim3A = vector.shape_cast %reduce_sum3A_4 : vector<512xf32> to vector<512x1xf32>
    %get3A_5 = arith.constant 0 : index
    %get3A_6 = arith.constant 0 : index
    %get3A_7 = vector.load %arg0[%get3A_5, %get3A_6] : memref<10000x128xf32, #tpu.memory_space<vmem>>, vector<10000x128xf32>
    %dot_general3A = arith.constant dense<0.000000e+00> : vector<512x128xf32>
    %dot_general3A_8 = tpu.matmul %convert_element_type3A_3, %get3A_7, %dot_general3A {dimension_numbers = #tpu.dot_dimension_numbers<[1], [0], [0], [1], [0, 0, 1, 1], [], []>, transpose_lhs_hint = false} : vector<512x10000xf32>, vector<10000x128xf32>, vector<512x128xf32> -> vector<512x128xf32>
    %max3A = arith.constant 1.000000e+00 : f32
    %max3A_9 = vector.broadcast %max3A : f32 to vector<512x1xf32>
    %max3A_10 = arith.maximumf %broadcast_in_dim3A, %max3A_9 : vector<512x1xf32>
    %div3A = vector.broadcast %max3A_10 : vector<512x1xf32> to vector<512x128xf32>
    %div3A_11 = arith.divf %dot_general3A_8, %div3A : vector<512x128xf32>
    %get3A_12 = arith.constant 0 : index
    %get3A_13 = arith.constant 0 : index
    %get3A_14 = vector.load %arg2[%get3A_12, %get3A_13] : memref<128x128xf32, #tpu.memory_space<vmem>>, vector<128x128xf32>
    %dot_general3A_15 = arith.constant dense<0.000000e+00> : vector<512x128xf32>
    %dot_general3A_16 = tpu.matmul %div3A_11, %get3A_14, %dot_general3A_15 {dimension_numbers = #tpu.dot_dimension_numbers<[1], [0], [0], [1], [0, 0, 1, 1], [], []>, transpose_lhs_hint = false} : vector<512x128xf32>, vector<128x128xf32>, vector<512x128xf32> -> vector<512x128xf32>
    %get3A_17 = arith.constant 0 : index
    %get3A_18 = arith.constant 0 : index
    %get3A_19 = vector.load %arg3[%get3A_17, %get3A_18] : memref<1x128xf32, #tpu.memory_space<vmem>>, vector<1x128xf32>
    %add3A = vector.broadcast %get3A_19 : vector<1x128xf32> to vector<512x128xf32>
    %add3A_20 = arith.addf %dot_general3A_16, %add3A : vector<512x128xf32>
    %swap3A = arith.constant 0 : index
    %swap3A_21 = arith.constant 0 : index
    %swap3A_22 = vector.load %arg4[%swap3A, %swap3A_21] : memref<512x128xf32, #tpu.memory_space<vmem>>, vector<512x128xf32>
    tpu.vector_store %arg4[%swap3A, %swap3A_21], %add3A_20 {strides = array<i32>} : memref<512x128xf32, #tpu.memory_space<vmem>>, vector<512x128xf32>,
    return
  }
}

</mosaic_0001>

<sc_bundles>
// kernel: gather_offload_async_start.1
scs
__scs_entry_jumppad:
0x0: {  	(pc) =	sbr.rel $0x88, $3  }
0x1: {  	(tag) =	ssettag $0x0;
	lr =	simm.s32 $0x1  }
0x2: {  	[smem:$0x3F8B] =	sst lr;
	_ =	strace $0xD0000000  }
0x3: {  	_ = 	snop  }
0x4: {  	_ = 	snop  }
0x5: {  	_ = 	snop  }
0x6: {  	_ = 	snop  }
0x7: {  	_ = 	snop  }
__scs_overlays_trampoline_lowered:
0x8: {  	[smem:$0x3F9A] =	sst s0  }
0x9: {  	[smem:$0x3F9B] =	sst s1  }
0xa: {  	[smem:$0x3F9C] =	sst s2  }
0xb: {  	[smem:$0x3F9D] =	sst s3  }
0xc: {  	[smem:$0x3F9E] =	sst s4  }
0xd: {  	[smem:$0x3F9F] =	sst s5  }
0xe: {  	[smem:$0x3FA0] =	sst s6  }
0xf: {  	[smem:$0x3FA1] =	sst s7  }
0x10: {  	[smem:$0x3FA2] =	sst s8  }
0x11: {  	[smem:$0x3FA3] =	sst s9;
	s0 =	simm.s32 @!p0 $0x0  }
0x12: {  	s1 =	sld [smem:$0x3F89];
	s0 =	simm.s32 @p0 $0x1  }
0x13: {  	[smem:$0x3FA4] =	sst s0;
	s0 =	simm.s32 @!p1 $0x0  }
0x14: {  	s2 =	sld [smem:$0x3F88];
	s0 =	simm.s32 @p1 $0x1  }
0x15: {  	[smem:$0x3FA5] =	sst s0;
	s0 =	simm.s32 @!p2 $0x0  }
0x16: {  	s3 =	sld [smem:$0x3FDB];
	s0 =	simm.s32 @p2 $0x1  }
0x17: {  	s4 =	simm.s32 $0x1BF5;
	[smem:$0x3FA7] =	sst s0  }
0x18: {  	s0 =	sld [smem:$0x3F8A];
	_ =	swait.ge [sflag:s4], $0x0  }
0x19: {  	s7 =	sld [smem:$0x3F8B]  }
0x1a: {  	s8 =	sadd.s32 $0xFFFFE003, lr  }
0x1b: {  	s9 =	sadd.s32 $0xFFFFFEF7, lr;
	s5 =	simm.s32 $0xFFFFFFFF;
	p2 =	slt.u32 s8, $0xFFFFF086  }
0x1c: {  	p1 =	slt.u32 s9, $0xF7A;
	s5 =	simm.s32 @!p2 $0x0  }
0x1d: {  	s5 =	simm.s32 @p1 $0x1;
	p0 =	seq.s32 s7, s2  }
0x1e: {  	s7 =	smul.u32 @!p0 $0xF7A, s2;
	p2 =	seq.s32 @!p0 s5, $0x0  }
0x1f: {  	s9 =	smul.u32 $0xF7A, s1;
	s8 =	simm.s32 @!p0 $0x1BF5;
	p2 =	por !p2, p0  }
0x20: {  	[sflag:s8] =	ssyncset.s32 @!p0 $0xFFFFF086;
	s6 =	sadd.s32 @!p0 s3, s7;
	s7 =	simm.s32 @!p0 $0x108  }
0x21: {  	s3 =	sadd.s32 s3, s9;
	s6 =	sadd.s32 @!p0 $0x88, s6;
	s7 =	simm.s32 @p2 $0x1082  }
0x22: {  	[simem:s7], [sflag:s8] =	dma.local @!p0 [hbm:s6], $0xF7A  }
0x23: {  	s9 =	sor.u32 $0xD0000000, s2;
	s6 =	simm.s32 $0x108;
	_ =	swait.ge @!p0 [sflag:s8], $0x0  }
0x24: {  	s3 =	sadd.s32 $0x88, s3;
	s6 =	simm.s32 @!p1 $0x1082;
	[sflag:s4] =	ssyncset.s32 $0xFFFFF086  }
0x25: {  	[simem:s6], [sflag:s4] =	dma.local [hbm:s3], $0xF7A  }
0x26: {  	[smem:$0x3F8B] =	sst s1;
	(tag) =	ssettag s2;
	_ =	strace s9  }
0x27: {  	s1 =	sld [smem:$0x3F9B]  }
0x28: {  	s2 =	sld [smem:$0x3F9C]  }
0x29: {  	s4 =	sld [smem:$0x3F9E]  }
0x2a: {  	p0 =	seq.s32 s5, $0x0;
	s5 =	sld [smem:$0x3F9F]  }
0x2b: {  	s6 =	sld [smem:$0x3FA0]  }
0x2c: {  	s7 =	sld [smem:$0x3FA1]  }
0x2d: {  	s3 =	simm.s32 $0x108;
	s8 =	sld [smem:$0x3FA2]  }
0x2e: {  	s3 =	simm.s32 @!p0 $0x1082;
	s9 =	sld [smem:$0x3FA3]  }
0x2f: {  	lr =	sadd.s32 s0, s3;
	s0 =	sld [smem:$0x3F9A]  }
0x30: {  	s3 =	sld [smem:$0x3F9D]  }
0x31: {  	[smem:$0x3FA6] =	sst s10  }
0x32: {  	s10 =	sld [smem:$0x3FA4];
	_ =	sdelay $0x3  }
0x33: {  	p0 =	seq.s32 s10, $0x1;
	s10 =	sld [smem:$0x3FA6];
	_ =	sdelay $0x3  }
0x34: {  	[smem:$0x3FA6] =	sst s10  }
0x35: {  	s10 =	sld [smem:$0x3FA5];
	_ =	sdelay $0x3  }
0x36: {  	p1 =	seq.s32 s10, $0x1;
	s10 =	sld [smem:$0x3FA6];
	_ =	sdelay $0x3  }
0x37: {  	[smem:$0x3FA6] =	sst s10  }
0x38: {  	s10 =	sld [smem:$0x3FA7]  }
0x39: {  	_ = 	snop;
	(pc) =	sbr.ind lr, $3  }
0x3a: {  	_ = 	snop  }
0x3b: {  	_ = 	snop  }
0x3c: {  	p2 =	seq.s32 s10, $0x1;
	s10 =	sld [smem:$0x3FA6]  }
0x3d: {  	_ =	shalt  }
0x3e: {  	_ =	shalt  }
0x3f: {  	_ =	shalt  }
0x40: {  	_ =	shalt  }
0x41: {  	_ =	shalt  }
0x42: {  	_ =	shalt  }
0x43: {  	_ =	shalt  }
0x44: {  	_ =	shalt  }
0x45: {  	_ =	shalt  }
0x46: {  	_ =	shalt  }
0x47: {  	_ =	shalt  }
0x48: {  	_ =	shalt  }
0x49: {  	_ =	shalt  }
0x4a: {  	_ =	shalt  }
0x4b: {  	_ =	shalt  }
0x4c: {  	_ =	shalt  }
0x4d: {  	_ =	shalt  }
0x4e: {  	_ =	shalt  }
0x4f: {  	_ =	shalt  }
0x50: {  	_ =	shalt  }
0x51: {  	_ =	shalt  }
0x52: {  	_ =	shalt  }
0x53: {  	_ =	shalt  }
0x54: {  	_ =	shalt  }
0x55: {  	_ =	shalt  }
0x56: {  	_ =	shalt  }
0x57: {  	_ =	shalt  }
0x58: {  	_ =	shalt  }
0x59: {  	_ =	shalt  }
0x5a: {  	_ =	shalt  }
0x5b: {  	_ =	shalt  }
0x5c: {  	_ =	shalt  }
0x5d: {  	_ =	shalt  }
0x5e: {  	_ =	shalt  }
0x5f: {  	_ =	shalt  }
0x60: {  	_ =	shalt  }
0x61: {  	_ =	shalt  }
0x62: {  	_ =	shalt  }
0x63: {  	_ =	shalt  }
0x64: {  	_ =	shalt  }
0x65: {  	_ =	shalt  }
0x66: {  	_ =	shalt  }
0x67: {  	_ =	shalt  }
0x68: {  	_ =	shalt  }
0x69: {  	_ =	shalt  }
0x6a: {  	_ =	shalt  }
0x6b: {  	_ =	shalt  }
0x6c: {  	_ =	shalt  }
0x6d: {  	_ =	shalt  }
0x6e: {  	_ =	shalt  }
0x6f: {  	_ =	shalt  }
0x70: {  	_ =	shalt  }
0x71: {  	_ =	shalt  }
0x72: {  	_ =	shalt  }
0x73: {  	_ =	shalt  }
0x74: {  	_ =	shalt  }
0x75: {  	_ =	shalt  }
0x76: {  	_ =	shalt  }
0x77: {  	_ =	shalt  }
0x78: {  	_ =	shalt  }
0x79: {  	_ =	shalt  }
0x7a: {  	_ =	shalt  }
0x7b: {  	_ =	shalt  }
0x7c: {  	_ =	shalt  }
0x7d: {  	_ =	shalt  }
0x7e: {  	_ =	shalt  }
0x7f: {  	_ =	shalt  }
0x80: {  	_ =	shalt  }
0x81: {  	_ =	shalt  }
0x82: {  	_ =	shalt  }
0x83: {  	_ =	shalt  }
0x84: {  	_ =	shalt  }
0x85: {  	_ =	shalt  }
0x86: {  	_ =	shalt  }
0x87: {  	_ =	shalt  }
.Lfunc_end0:
.L_simem_size_0:
called_computation.2_lowered:
.L_overlay_start_0:
0x88: {  	s2 =	sld [smem:$0x3FD9]  }
0x89: {  	s3 =	sld [smem:$0x3FFE];
	_ =	sdelay $0x1  }
0x8a: {  	s1 =	srdreg.scid  }
0x8b: {  	s0 =	sand.u32 $0x1, s1  }
0x8c: {  	s16 =	sshll.u32 s0, $0xA;
	s2 =	sadd.s32 s3, s2  }
0x8d: {  	s2 =	sadd.s32 s2, s16  }
0x8e: {  	[smem:$0x3FB2] =	sst s2  }
0x8f: {  	_ = 	snop  }
0x90: {  	(tm) =	ssettm $0x1  }
0x91: {  	s17 =	sld [smem:$0x3FFB];
	_ =	sdelay $0x3  }
0x92: {  	_ =	strace s17  }
0x93: {  	s2 =	sld [smem:$0x3FFC];
	_ =	sdelay $0x3  }
0x94: {  	_ =	strace s2  }
0x95: {  	s2 =	sld [smem:$0x3FFD];
	_ =	sdelay $0x3  }
0x96: {  	_ =	strace s2  }
0x97: {  	_ =	strace $0x8FFFFFFF  }
0x98: {  	s18 =	sld [smem:$0x3FDB];
	_ =	sdelay $0x1  }
0x99: {  	s19 =	simm.s32 $_scs_section_size  }
0x9a: {  	s4 =	simm.s32 $_size__tile_overlayer_lowered;
	s5 =	simm.s32 $_tile_overlayer_lowered  }
0x9b: {  	s22 =	simm.s32 $0x1BFF;
	s21 =	sshll.u32 s5, $0x1;
	s2 =	sadd.s32 s19, s18  }
0x9c: {  	s6 =	simm.s32 $0x0;
	s20 =	sshll.u32 s4, $0x1;
	s4 =	sadd.s32 s21, s2  }
0x9d: {  	[timem:s6], [sflag:s22] =	dma.local [hbm:s4], s20  }
0x9e: {  	_ =	swait.ge [sflag:s22], s20  }
0x9f: {  	s3 =	ssub.s32 $0x0, s20;
	[sflag:s22] =	ssyncset.done $0x0  }
0xa0: {  	[sflag:s22] =	ssyncadd.s32 s3;
	_ =	sdelay $0x1  }
0xa1: {  	s23 =	simm.s32 $0x1B8B  }
0xa2: {  	_ =	swait.ge [sflag:s23], $0x1  }
0xa3: {  	[sflag:s23] =	ssyncset.done $0x0  }
0xa4: {  	s25 =	simm.s32 $0x1B8E;
	s24 =	sld [smem:$0x3FFE];
	[sflag:s23] =	ssyncadd.s32 $0xFFFFFFFF  }
0xa5: {  	s26 =	simm.s32 $execute0_lowered;
	[smem:$0x3FD2] =	sst s25  }
0xa6: {  	s4 =	sshll.u32 s26, $0x1;
	_ =	strace $0x80000046;
	[dreg:$0x1] =	wrdreg $0xFFFFFFFF  }
0xa7: {  	s28 =	simm.s32 $_size_execute0_lowered;
	s2 =	sadd.s32 s2, s4;
	[dreg:$0x0] =	wrdreg $0x0  }
0xa8: {  	s4 =	sshll.u32 s28, $0x1;
	[dreg:$0x2] =	wrdreg s2  }
0xa9: {  	[dreg:$0x3] =	wrdreg s4  }
0xaa: {  	[dreg:$0x4] =	wrdreg $0xC0  }
0xab: {  	_ =	task [dreg:s6], $0x5FFFF  }
0xac: {  	[dreg:$0x1] =	wrdreg $0xFFFFFFFF  }
0xad: {  	[dreg:$0x0] =	wrdreg $0x60  }
0xae: {  	[dreg:$0x2] =	wrdreg s24  }
0xaf: {  	[dreg:$0x3] =	wrdreg $0x9  }
0xb0: {  	_ =	task.clear_ibuf [dreg:s6], $0x4FFFF;
	_ =	strace $0x90000046  }
0xb1: {  	s29 =	simm.s32 $0x9;
	_ =	strace $0x80000048  }
0xb2: {  	_ =	swait.ge [sflag:s29], $0x1  }
0xb3: {  	[sflag:s29] =	ssyncadd.s32 $0xFFFFFFFF  }
0xb4: {  	_ =	strace $0x90000048  }
0xb5: {  	_ =	sfence  }
0xb6: {  	s30 =	sld [smem:$0x0];
	_ =	sdelay $0x2  }
0xb7: {  	s31 =	sshll.u32 s1, $0xD;
	s1 =	sshrl.u32 s1, $0x2  }
0xb8: {  	s3 =	sand.u32 $0x4000, s31;
	s1 =	sadd.s32 s1, s30  }
0xb9: {  	s0 =	sor.u32 s3, s0;
	s1 =	sshll.u32 s1, $0x11  }
0xba: {  	s0 =	sor.u32 s1, s0  }
0xbb: {  	s0 =	sadd.s32 $0x8F2B, s0  }
0xbc: {  	[sflag:s0] =	ssyncadd.remote.s32 $0x1  }
0xbd: {  	_ =	sfence.sel $0xFFFF  }
0xbe: {  	[dreg:$0x0] =	wrdreg $0xFFFFFFFF;
	(pc) =	sbr.abs _section_cstart, $3  }
0xbf: {  	[dreg:$0x1] =	wrdreg $0xFFFFFFFF  }
0xc0: {  	_ =	task.clear_ibuf [dreg:s6], $0x2FFFF;
	_ =	strace $0x9FFFFFFF  }
0xc1: {  	(tm) =	ssettm $0x7FFFFFFF  }
tec
execute0_lowered:
.L_overlay_start_1:
0x0: {  	(tag) =	ssettag $0x1  }
0x1: {  	s8 =	rddreg [dreg:$0x0]  }
0x2: {  	s0 =	rddreg [dreg:$0x1];
	_ =	strace $0x80000047;
	s1 =	stileid.u32  }
0x3: {  	s3 =	srdreg.scid;
	s4 =	simm.s32 $0x1;
	s7 =	simm.s32 $0x1  }
0x4: {  	s9 =	simm.s32 $0x1;
	s10 =	simm.s32 $0x3;
	s13 =	simm.s32 $0x0  }
0x5: {  	s12 =	simm.s32 $0x0;
	s5 =	sand.u32 $0x1, s3;
	s6 =	sshll.u32 s1, $0x1  }
0x6: {  	s2 =	sadd.s32 $0x4FB000, s8;
	s3 =	sadd.s32 $0x504E00, s8;
	s5 =	sor.u32 s6, s5  }
.Ltmp0:
0x7: {  	[sflag:s4] =	ssyncpa.u1 $0x0;
	p0 =	slt.u32 s5, $0x9;
	(pc) =	sbr.rel .LBB2_1-.Ltmp0, $4  }
0x8: {  	s6 =	simm.s32 $0x2;
	s7 =	simm.s32 @!p0 $0x0;
	p0 =	sne.s32 s5, $0x8  }
0x9: {  	[sflag:s6] =	ssyncpa.u1 $0x0;
	s5 =	smul.u32 $0x1F40, s5;
	s9 =	simm.s32 @!p0 $0x0  }
0xa: {  	s8 =	sadd.s32 $0x27A00, s8;
	[sflag:s10] =	ssyncpa.u1 $0x0;
	s7 =	sadd.s32 s9, s7  }
0xb: {  	vm0 =	vmmov $0xffff;
	s10 =	simm.s32 $0x0;
	s11 =	smov.u32 s5;
	s9 =	sadd.s32 $0x1, s7  }
.LBB2_4:
0xc: {  	v2 =	vnsel vm1, $0x0, v2  }
0xd: {  	vm1 =	vgt.s32 v0, $0x0;
	v2 =	vmin.u32 v2, $0x4E1FF  }
0xe: {  	v0 =	vnsel vm1, $0x0, v0  }
0xf: {  	v0 =	vmin.u32 v0, $0x4E1FF  }
0x10: {  	[tilespmem:s18], [sflag:$0x1] =	stream.indirect_vreg.gather [hbm4b:s2+s10], $0x1, v1, vm0, $0x4038;
	[tilespmem:$0x7D00] =	vst v63  }
0x11: {  	(ifvalue) =	ssetifvalue $0x7FFFFFFF  }
0x12: {  	[tilespmem:s15], [sflag:$0x1] =	stream.indirect_vreg.gather [hbm4b:s2+s10], $0x1, v2, vm0, $0x4038;
	[tilespmem:$0x7D00] =	vst v63  }
0x13: {  	s29 =	sadd.s32 $0x10, s15;
	(ifvalue) =	ssetifvalue $0x7FFFFFFF  }
0x14: {  	[tilespmem:s29], [sflag:$0x1] =	stream.indirect_vreg.gather [hbm4b:s2+s10], $0x1, v0, vm0, $0x4038;
	[tilespmem:$0x7D00] =	vst v63  }
0x15: {  	_ =	swait.ge [sflag:s4], $0x1F40  }
0x16: {  	s30 =	sshrl.u32 s13, $0x3;
	[sflag:s4] =	ssyncset.done $0x0  }
0x17: {  	s31 =	sand.u32 $0x7, s13;
	s15 =	sadd.s32 s8, s30;
	[sflag:s4] =	ssyncadd.s32 $0xFFFFE0C0  }
0x18: {  	[hbm4b:s15+s31] =	stream.linear.scatter [tilespmem:s14], [sflag:$0x3], $0x1F40, $0x38;
	[tilespmem:$0x7D00] =	vst v63  }
.LBB2_5:
0x19: {  	s15 =	sadd.s32 $0x3E800, s11  }
0x1a: {  	p1 =	sgt.s32 s15, $0x4E1FF  }
0x1b: {  	s15 =	smov.u32 @p1 s5;
	p1 =	sne.s32 s12, s9  }
.Ltmp1:
0x1c: {  	p0 =	slt.u32 s12, $0x2;
	(pc) =	sbr.rel @!p1 .LBB2_6-.Ltmp1, $4  }
0x1d: {  	s14 =	simm.s32 @!p0 $0x3  }
0x1e: {  	_ =	swait.ge @!p0 [sflag:s14], $0x1F40  }
0x1f: {  	s16 =	sadd.s32 $0x1, s12;
	s13 =	smov.u32 s11;
	[sflag:s14] =	ssyncset.done @!p0 $0x0  }
0x20: {  	s12 =	smov.u32 s16;
	s11 =	smov.u32 s15;
	[sflag:s14] =	ssyncadd.s32 @!p0 $0xFFFFE0C0  }
.LBB2_1:
0x21: {  	p0 =	sge.u32 s12, s7  }
0x22: {  	s14 =	sxor.u32 @!p0 $0x1, s12  }
0x23: {  	s14 =	smul.u32 @!p0 $0x7D00, s14  }
0x24: {  	s31 =	sadd.s32 $0xFFFFFFFF, s12;
	s15 =	sshrl.u32 @!p0 s11, $0x3  }
0x25: {  	s16 =	sand.u32 @!p0 $0x7, s11;
	s15 =	sadd.s32 @!p0 s3, s15;
	s14 =	sshra.s32 @!p0 s14, $0x2  }
0x26: {  	[tilespmem:s14], [sflag:$0x2] =	stream.linear.gather @!p0 [hbm4b:s15+s16], $0x1F40, $0x38;
	[tilespmem:$0x7D00] =	vst v63  }
0x27: {  	p0 =	sge.u32 s31, s7  }
.Ltmp2:
0x28: {  	_ = 	snop;
	(pc) =	sbr.rel @p0 .LBB2_5-.Ltmp2, $1  }
0x29: {  	_ =	sdelay $0x3  }
0x2a: {  	s14 =	sand.u32 $0x1, s12  }
0x2b: {  	_ =	swait.ge [sflag:s6], $0x1F40;
	p0 =	seq.s32 s14, $0x1;
	s14 =	simm.s32 $0x1F40  }
0x2c: {  	[sflag:s6] =	ssyncset.done $0x0;
	s14 =	simm.s32 @!p0 $0x0  }
0x2d: {  	[sflag:s6] =	ssyncadd.s32 $0xFFFFE0C0;
	(ifvalue) =	ssetifvalue $0x7FFFFFFF;
	v0 =	vld.msk [tilespmem:s14+$0x0 ss:$0x1], $0xffff;
	_ =	sdelay $0x4  }
0x2e: {  	s15 =	sadd.s32 $0x10, s14;
	vm1 =	vgt.s32 v0, $0x0  }
0x2f: {  	v2 =	vld.msk [tilespmem:s15+$0x0 ss:$0x1], $0xffff;
	v1 =	vnsel vm1, $0x0, v0  }
0x30: {  	v1 =	vmin.u32 v1, $0x4E1FF;
	_ =	sdelay $0x2  }
0x31: {  	s17 =	simm.s32 $0x20;
	s14 =	sadd.s32 $0x3E80, s14;
	s16 =	sadd.s32 $0x10, s15  }
0x32: {  	s15 =	sadd.s32 $0x10, s14;
	s18 =	smov.u32 s14;
	v0 =	vld.msk [tilespmem:s16+$0x0 ss:$0x1], $0xffff;
	vm1 =	vgt.s32 v2, $0x0;
	(ifvalue) =	ssetifvalue $0x7FFFFFFF  }
.LBB2_3:
0x33: {  	[tilespmem:s18], [sflag:$0x1] =	stream.indirect_vreg.gather [hbm4b:s2+s10], $0x1, v1, vm0, $0x4038;
	[tilespmem:$0x7D00] =	vst v63  }
0x34: {  	s17 =	sadd.s32 $0x10, s17  }
0x35: {  	v2 =	vnsel vm1, $0x0, v2;
	p0 =	slt.u32 s17, $0x1F30  }
.Ltmp3:
0x36: {  	s18 =	smov.u32 s15;
	v1 =	vmin.u32 v2, $0x4E1FF;
	(pc) =	sbr.rel @p0 .LBB2_3-.Ltmp3, $3  }
0x37: {  	_ =	sdelay $0x1  }
0x38: {  	s16 =	sadd.s32 $0x10, s16  }
0x39: {  	vm1 =	vgt.s32 v0, $0x0;
	s15 =	sadd.s32 $0x10, s15;
	v2 =	vmov v0;
	(ifvalue) =	ssetifvalue $0x7FFFFFFF;
	v0 =	vld.msk [tilespmem:s16+$0x0 ss:$0x1], $0xffff  }
.Ltmp4:
0x3a: {  	_ = 	snop;
	(pc) =	sbr.rel .LBB2_4-.Ltmp4, $1  }
0x3b: {  	_ =	sdelay $0x3  }
.LBB2_6:
0x3c: {  	_ =	sfence.sel $0x180000  }
0x3d: {  	s2 =	simm.s32 $0x2;
	[bflag:$0x0] =	sbarrier.arrive $0xFFFF  }
0x3e: {  	s30 =	simm.s32 $0x3;
	[sflag:s2] =	ssyncpa.u1 $0x1  }
0x3f: {  	s31 =	simm.s32 $0x1;
	[sflag:s30] =	ssyncpa.u1 $0x1  }
0x40: {  	[sflag:s31] =	ssyncpa.u1 $0x1  }
0x41: {  	p0 =	sne.s32 s1, $0x0;
	_ =	strace $0x90000047  }
0x42: {  	s0 =	sadd.s32 @!p0 $0x100000, s0;
	[bflag:$0x2] =	sbarrier.arrive $0xFFFF  }
0x43: {  	[sflag:s0] =	ssyncadd.tile.s32 @!p0 $0x1;
	_ =	shalt  }
.Lfunc_end2:
_tile_overlayer_lowered:
.L_overlay_start_2:
0x44: {  	(tag) =	ssettag $0x2  }
0x45: {  	s0 =	rddreg [dreg:$0x0];
	s2 =	stileid.u32  }
0x46: {  	s1 =	rddreg [dreg:$0x1];
	p0 =	sne.s32 s2, $0x0  }
0x47: {  	s3 =	rddreg [dreg:$0x2];
	[bflag:$0x3] =	sbarrier.arrive $0xFFFF;
	s2 =	simm.s32 @!p0 $0x1C01  }
0x48: {  	[timem:s3], [sflag:s2] =	dma.local @!p0 [hbm:s0], s1  }
0x49: {  	s0 =	simm.s32 @!p0 $0x1  }
0x4a: {  	_ =	swait.ge @!p0 [sflag:s0], s1  }
0x4b: {  	s1 =	ssub.s32 @!p0 $0x0, s1;
	[sflag:s0] =	ssyncset.done @!p0 $0x0  }
0x4c: {  	[sflag:s0] =	ssyncadd.s32 @!p0 s1  }
0x4d: {  	[bflag:$0x3] =	sbarrier.arrive $0xFFFF  }
0x4e: {  	_ =	shalt  }

// kernel: gather_offload_async_start
scs
__scs_entry_jumppad:
0x0: {  	(pc) =	sbr.rel $0x88, $3  }
0x1: {  	(tag) =	ssettag $0x0;
	lr =	simm.s32 $0x1  }
0x2: {  	[smem:$0x3F8B] =	sst lr;
	_ =	strace $0xD0000000  }
0x3: {  	_ = 	snop  }
0x4: {  	_ = 	snop  }
0x5: {  	_ = 	snop  }
0x6: {  	_ = 	snop  }
0x7: {  	_ = 	snop  }
__scs_overlays_trampoline_lowered:
0x8: {  	[smem:$0x3F9A] =	sst s0  }
0x9: {  	[smem:$0x3F9B] =	sst s1  }
0xa: {  	[smem:$0x3F9C] =	sst s2  }
0xb: {  	[smem:$0x3F9D] =	sst s3  }
0xc: {  	[smem:$0x3F9E] =	sst s4  }
0xd: {  	[smem:$0x3F9F] =	sst s5  }
0xe: {  	[smem:$0x3FA0] =	sst s6  }
0xf: {  	[smem:$0x3FA1] =	sst s7  }
0x10: {  	[smem:$0x3FA2] =	sst s8  }
0x11: {  	[smem:$0x3FA3] =	sst s9;
	s0 =	simm.s32 @!p0 $0x0  }
0x12: {  	s1 =	sld [smem:$0x3F89];
	s0 =	simm.s32 @p0 $0x1  }
0x13: {  	[smem:$0x3FA4] =	sst s0;
	s0 =	simm.s32 @!p1 $0x0  }
0x14: {  	s2 =	sld [smem:$0x3F88];
	s0 =	simm.s32 @p1 $0x1  }
0x15: {  	[smem:$0x3FA5] =	sst s0;
	s0 =	simm.s32 @!p2 $0x0  }
0x16: {  	s3 =	sld [smem:$0x3FDB];
	s0 =	simm.s32 @p2 $0x1  }
0x17: {  	s4 =	simm.s32 $0x1BF5;
	[smem:$0x3FA7] =	sst s0  }
0x18: {  	s0 =	sld [smem:$0x3F8A];
	_ =	swait.ge [sflag:s4], $0x0  }
0x19: {  	s7 =	sld [smem:$0x3F8B]  }
0x1a: {  	s8 =	sadd.s32 $0xFFFFE003, lr  }
0x1b: {  	s9 =	sadd.s32 $0xFFFFFEF7, lr;
	s5 =	simm.s32 $0xFFFFFFFF;
	p2 =	slt.u32 s8, $0xFFFFF086  }
0x1c: {  	p1 =	slt.u32 s9, $0xF7A;
	s5 =	simm.s32 @!p2 $0x0  }
0x1d: {  	s5 =	simm.s32 @p1 $0x1;
	p0 =	seq.s32 s7, s2  }
0x1e: {  	s7 =	smul.u32 @!p0 $0xF7A, s2;
	p2 =	seq.s32 @!p0 s5, $0x0  }
0x1f: {  	s9 =	smul.u32 $0xF7A, s1;
	s8 =	simm.s32 @!p0 $0x1BF5;
	p2 =	por !p2, p0  }
0x20: {  	[sflag:s8] =	ssyncset.s32 @!p0 $0xFFFFF086;
	s6 =	sadd.s32 @!p0 s3, s7;
	s7 =	simm.s32 @!p0 $0x108  }
0x21: {  	s3 =	sadd.s32 s3, s9;
	s6 =	sadd.s32 @!p0 $0x88, s6;
	s7 =	simm.s32 @p2 $0x1082  }
0x22: {  	[simem:s7], [sflag:s8] =	dma.local @!p0 [hbm:s6], $0xF7A  }
0x23: {  	s9 =	sor.u32 $0xD0000000, s2;
	s6 =	simm.s32 $0x108;
	_ =	swait.ge @!p0 [sflag:s8], $0x0  }
0x24: {  	s3 =	sadd.s32 $0x88, s3;
	s6 =	simm.s32 @!p1 $0x1082;
	[sflag:s4] =	ssyncset.s32 $0xFFFFF086  }
0x25: {  	[simem:s6], [sflag:s4] =	dma.local [hbm:s3], $0xF7A  }
0x26: {  	[smem:$0x3F8B] =	sst s1;
	(tag) =	ssettag s2;
	_ =	strace s9  }
0x27: {  	s1 =	sld [smem:$0x3F9B]  }
0x28: {  	s2 =	sld [smem:$0x3F9C]  }
0x29: {  	s4 =	sld [smem:$0x3F9E]  }
0x2a: {  	p0 =	seq.s32 s5, $0x0;
	s5 =	sld [smem:$0x3F9F]  }
0x2b: {  	s6 =	sld [smem:$0x3FA0]  }
0x2c: {  	s7 =	sld [smem:$0x3FA1]  }
0x2d: {  	s3 =	simm.s32 $0x108;
	s8 =	sld [smem:$0x3FA2]  }
0x2e: {  	s3 =	simm.s32 @!p0 $0x1082;
	s9 =	sld [smem:$0x3FA3]  }
0x2f: {  	lr =	sadd.s32 s0, s3;
	s0 =	sld [smem:$0x3F9A]  }
0x30: {  	s3 =	sld [smem:$0x3F9D]  }
0x31: {  	[smem:$0x3FA6] =	sst s10  }
0x32: {  	s10 =	sld [smem:$0x3FA4];
	_ =	sdelay $0x3  }
0x33: {  	p0 =	seq.s32 s10, $0x1;
	s10 =	sld [smem:$0x3FA6];
	_ =	sdelay $0x3  }
0x34: {  	[smem:$0x3FA6] =	sst s10  }
0x35: {  	s10 =	sld [smem:$0x3FA5];
	_ =	sdelay $0x3  }
0x36: {  	p1 =	seq.s32 s10, $0x1;
	s10 =	sld [smem:$0x3FA6];
	_ =	sdelay $0x3  }
0x37: {  	[smem:$0x3FA6] =	sst s10  }
0x38: {  	s10 =	sld [smem:$0x3FA7]  }
0x39: {  	_ = 	snop;
	(pc) =	sbr.ind lr, $3  }
0x3a: {  	_ = 	snop  }
0x3b: {  	_ = 	snop  }
0x3c: {  	p2 =	seq.s32 s10, $0x1;
	s10 =	sld [smem:$0x3FA6]  }
0x3d: {  	_ =	shalt  }
0x3e: {  	_ =	shalt  }
0x3f: {  	_ =	shalt  }
0x40: {  	_ =	shalt  }
0x41: {  	_ =	shalt  }
0x42: {  	_ =	shalt  }
0x43: {  	_ =	shalt  }
0x44: {  	_ =	shalt  }
0x45: {  	_ =	shalt  }
0x46: {  	_ =	shalt  }
0x47: {  	_ =	shalt  }
0x48: {  	_ =	shalt  }
0x49: {  	_ =	shalt  }
0x4a: {  	_ =	shalt  }
0x4b: {  	_ =	shalt  }
0x4c: {  	_ =	shalt  }
0x4d: {  	_ =	shalt  }
0x4e: {  	_ =	shalt  }
0x4f: {  	_ =	shalt  }
0x50: {  	_ =	shalt  }
0x51: {  	_ =	shalt  }
0x52: {  	_ =	shalt  }
0x53: {  	_ =	shalt  }
0x54: {  	_ =	shalt  }
0x55: {  	_ =	shalt  }
0x56: {  	_ =	shalt  }
0x57: {  	_ =	shalt  }
0x58: {  	_ =	shalt  }
0x59: {  	_ =	shalt  }
0x5a: {  	_ =	shalt  }
0x5b: {  	_ =	shalt  }
0x5c: {  	_ =	shalt  }
0x5d: {  	_ =	shalt  }
0x5e: {  	_ =	shalt  }
0x5f: {  	_ =	shalt  }
0x60: {  	_ =	shalt  }
0x61: {  	_ =	shalt  }
0x62: {  	_ =	shalt  }
0x63: {  	_ =	shalt  }
0x64: {  	_ =	shalt  }
0x65: {  	_ =	shalt  }
0x66: {  	_ =	shalt  }
0x67: {  	_ =	shalt  }
0x68: {  	_ =	shalt  }
0x69: {  	_ =	shalt  }
0x6a: {  	_ =	shalt  }
0x6b: {  	_ =	shalt  }
0x6c: {  	_ =	shalt  }
0x6d: {  	_ =	shalt  }
0x6e: {  	_ =	shalt  }
0x6f: {  	_ =	shalt  }
0x70: {  	_ =	shalt  }
0x71: {  	_ =	shalt  }
0x72: {  	_ =	shalt  }
0x73: {  	_ =	shalt  }
0x74: {  	_ =	shalt  }
0x75: {  	_ =	shalt  }
0x76: {  	_ =	shalt  }
0x77: {  	_ =	shalt  }
0x78: {  	_ =	shalt  }
0x79: {  	_ =	shalt  }
0x7a: {  	_ =	shalt  }
0x7b: {  	_ =	shalt  }
0x7c: {  	_ =	shalt  }
0x7d: {  	_ =	shalt  }
0x7e: {  	_ =	shalt  }
0x7f: {  	_ =	shalt  }
0x80: {  	_ =	shalt  }
0x81: {  	_ =	shalt  }
0x82: {  	_ =	shalt  }
0x83: {  	_ =	shalt  }
0x84: {  	_ =	shalt  }
0x85: {  	_ =	shalt  }
0x86: {  	_ =	shalt  }
0x87: {  	_ =	shalt  }
.Lfunc_end0:
.L_simem_size_0:
called_computation.1_lowered:
.L_overlay_start_0:
0x88: {  	s2 =	sld [smem:$0x3FD9]  }
0x89: {  	s3 =	sld [smem:$0x3FFE];
	_ =	sdelay $0x1  }
0x8a: {  	s1 =	srdreg.scid  }
0x8b: {  	s0 =	sand.u32 $0x1, s1  }
0x8c: {  	s16 =	sshll.u32 s0, $0xA;
	s2 =	sadd.s32 s3, s2  }
0x8d: {  	s2 =	sadd.s32 s2, s16  }
0x8e: {  	[smem:$0x3FB2] =	sst s2  }
0x8f: {  	_ = 	snop  }
0x90: {  	(tm) =	ssettm $0x1  }
0x91: {  	s17 =	sld [smem:$0x3FFB];
	_ =	sdelay $0x3  }
0x92: {  	_ =	strace s17  }
0x93: {  	s2 =	sld [smem:$0x3FFC];
	_ =	sdelay $0x3  }
0x94: {  	_ =	strace s2  }
0x95: {  	s2 =	sld [smem:$0x3FFD];
	_ =	sdelay $0x3  }
0x96: {  	_ =	strace s2  }
0x97: {  	_ =	strace $0x8FFFFFFF  }
0x98: {  	s18 =	sld [smem:$0x3FDB];
	_ =	sdelay $0x1  }
0x99: {  	s19 =	simm.s32 $_scs_section_size  }
0x9a: {  	s4 =	simm.s32 $_size__tile_overlayer_lowered;
	s5 =	simm.s32 $_tile_overlayer_lowered  }
0x9b: {  	s22 =	simm.s32 $0x1BFF;
	s21 =	sshll.u32 s5, $0x1;
	s2 =	sadd.s32 s19, s18  }
0x9c: {  	s6 =	simm.s32 $0x0;
	s20 =	sshll.u32 s4, $0x1;
	s4 =	sadd.s32 s21, s2  }
0x9d: {  	[timem:s6], [sflag:s22] =	dma.local [hbm:s4], s20  }
0x9e: {  	_ =	swait.ge [sflag:s22], s20  }
0x9f: {  	s3 =	ssub.s32 $0x0, s20;
	[sflag:s22] =	ssyncset.done $0x0  }
0xa0: {  	[sflag:s22] =	ssyncadd.s32 s3;
	_ =	sdelay $0x1  }
0xa1: {  	s23 =	simm.s32 $0x1B8B  }
0xa2: {  	_ =	swait.ge [sflag:s23], $0x1  }
0xa3: {  	[sflag:s23] =	ssyncset.done $0x0  }
0xa4: {  	s25 =	simm.s32 $0x1B8E;
	s24 =	sld [smem:$0x3FFE];
	[sflag:s23] =	ssyncadd.s32 $0xFFFFFFFF  }
0xa5: {  	s26 =	simm.s32 $execute0_lowered;
	[smem:$0x3FD2] =	sst s25  }
0xa6: {  	s4 =	sshll.u32 s26, $0x1;
	_ =	strace $0x80000049;
	[dreg:$0x1] =	wrdreg $0xFFFFFFFF  }
0xa7: {  	s28 =	simm.s32 $_size_execute0_lowered;
	s2 =	sadd.s32 s2, s4;
	[dreg:$0x0] =	wrdreg $0x0  }
0xa8: {  	s4 =	sshll.u32 s28, $0x1;
	[dreg:$0x2] =	wrdreg s2  }
0xa9: {  	[dreg:$0x3] =	wrdreg s4  }
0xaa: {  	[dreg:$0x4] =	wrdreg $0xC0  }
0xab: {  	_ =	task [dreg:s6], $0x5FFFF  }
0xac: {  	[dreg:$0x1] =	wrdreg $0xFFFFFFFF  }
0xad: {  	[dreg:$0x0] =	wrdreg $0x60  }
0xae: {  	[dreg:$0x2] =	wrdreg s24  }
0xaf: {  	[dreg:$0x3] =	wrdreg $0x9  }
0xb0: {  	_ =	task.clear_ibuf [dreg:s6], $0x4FFFF;
	_ =	strace $0x90000049  }
0xb1: {  	s29 =	simm.s32 $0x9;
	_ =	strace $0x8000004B  }
0xb2: {  	_ =	swait.ge [sflag:s29], $0x1  }
0xb3: {  	[sflag:s29] =	ssyncadd.s32 $0xFFFFFFFF  }
0xb4: {  	_ =	strace $0x9000004B  }
0xb5: {  	_ =	sfence  }
0xb6: {  	s30 =	sld [smem:$0x0];
	_ =	sdelay $0x2  }
0xb7: {  	s31 =	sshll.u32 s1, $0xD;
	s1 =	sshrl.u32 s1, $0x2  }
0xb8: {  	s3 =	sand.u32 $0x4000, s31;
	s1 =	sadd.s32 s1, s30  }
0xb9: {  	s0 =	sor.u32 s3, s0;
	s1 =	sshll.u32 s1, $0x11  }
0xba: {  	s0 =	sor.u32 s1, s0  }
0xbb: {  	s0 =	sadd.s32 $0x8F2B, s0  }
0xbc: {  	[sflag:s0] =	ssyncadd.remote.s32 $0x1  }
0xbd: {  	_ =	sfence.sel $0xFFFF  }
0xbe: {  	[dreg:$0x0] =	wrdreg $0xFFFFFFFF;
	(pc) =	sbr.abs _section_cstart, $3  }
0xbf: {  	[dreg:$0x1] =	wrdreg $0xFFFFFFFF  }
0xc0: {  	_ =	task.clear_ibuf [dreg:s6], $0x2FFFF;
	_ =	strace $0x9FFFFFFF  }
0xc1: {  	(tm) =	ssettm $0x7FFFFFFF  }
tec
execute0_lowered:
.L_overlay_start_1:
0x0: {  	(tag) =	ssettag $0x1  }
0x1: {  	s8 =	rddreg [dreg:$0x0]  }
0x2: {  	s0 =	rddreg [dreg:$0x1];
	_ =	strace $0x8000004A;
	s1 =	stileid.u32  }
0x3: {  	s3 =	srdreg.scid;
	s4 =	simm.s32 $0x1;
	s7 =	simm.s32 $0x1  }
0x4: {  	s9 =	simm.s32 $0x1;
	s10 =	simm.s32 $0x3;
	s13 =	simm.s32 $0x0  }
0x5: {  	s12 =	simm.s32 $0x0;
	s5 =	sand.u32 $0x1, s3;
	s6 =	sshll.u32 s1, $0x1  }
0x6: {  	s2 =	sadd.s32 $0x4F1200, s8;
	s3 =	sadd.s32 $0x504E00, s8;
	s5 =	sor.u32 s6, s5  }
.Ltmp0:
0x7: {  	[sflag:s4] =	ssyncpa.u1 $0x0;
	p0 =	slt.u32 s5, $0x9;
	(pc) =	sbr.rel .LBB2_1-.Ltmp0, $4  }
0x8: {  	s6 =	simm.s32 $0x2;
	s7 =	simm.s32 @!p0 $0x0;
	p0 =	sne.s32 s5, $0x8  }
0x9: {  	[sflag:s6] =	ssyncpa.u1 $0x0;
	s5 =	smul.u32 $0x1F40, s5;
	s9 =	simm.s32 @!p0 $0x0  }
0xa: {  	s8 =	sadd.s32 $0xC6200, s8;
	[sflag:s10] =	ssyncpa.u1 $0x0;
	s7 =	sadd.s32 s9, s7  }
0xb: {  	vm0 =	vmmov $0xffff;
	s10 =	simm.s32 $0x0;
	s11 =	smov.u32 s5;
	s9 =	sadd.s32 $0x1, s7  }
.LBB2_4:
0xc: {  	v2 =	vnsel vm1, $0x0, v2  }
0xd: {  	vm1 =	vgt.s32 v0, $0x0;
	v2 =	vmin.u32 v2, $0x4E1FF  }
0xe: {  	v0 =	vnsel vm1, $0x0, v0  }
0xf: {  	v0 =	vmin.u32 v0, $0x4E1FF  }
0x10: {  	[tilespmem:s18], [sflag:$0x1] =	stream.indirect_vreg.gather [hbm4b:s2+s10], $0x1, v1, vm0, $0x4038;
	[tilespmem:$0x7D00] =	vst v63  }
0x11: {  	(ifvalue) =	ssetifvalue $0x7FFFFFFF  }
0x12: {  	[tilespmem:s15], [sflag:$0x1] =	stream.indirect_vreg.gather [hbm4b:s2+s10], $0x1, v2, vm0, $0x4038;
	[tilespmem:$0x7D00] =	vst v63  }
0x13: {  	s29 =	sadd.s32 $0x10, s15;
	(ifvalue) =	ssetifvalue $0x7FFFFFFF  }
0x14: {  	[tilespmem:s29], [sflag:$0x1] =	stream.indirect_vreg.gather [hbm4b:s2+s10], $0x1, v0, vm0, $0x4038;
	[tilespmem:$0x7D00] =	vst v63  }
0x15: {  	_ =	swait.ge [sflag:s4], $0x1F40  }
0x16: {  	s30 =	sshrl.u32 s13, $0x3;
	[sflag:s4] =	ssyncset.done $0x0  }
0x17: {  	s31 =	sand.u32 $0x7, s13;
	s15 =	sadd.s32 s8, s30;
	[sflag:s4] =	ssyncadd.s32 $0xFFFFE0C0  }
0x18: {  	[hbm4b:s15+s31] =	stream.linear.scatter [tilespmem:s14], [sflag:$0x3], $0x1F40, $0x38;
	[tilespmem:$0x7D00] =	vst v63  }
.LBB2_5:
0x19: {  	s15 =	sadd.s32 $0x3E800, s11  }
0x1a: {  	p1 =	sgt.s32 s15, $0x4E1FF  }
0x1b: {  	s15 =	smov.u32 @p1 s5;
	p1 =	sne.s32 s12, s9  }
.Ltmp1:
0x1c: {  	p0 =	slt.u32 s12, $0x2;
	(pc) =	sbr.rel @!p1 .LBB2_6-.Ltmp1, $4  }
0x1d: {  	s14 =	simm.s32 @!p0 $0x3  }
0x1e: {  	_ =	swait.ge @!p0 [sflag:s14], $0x1F40  }
0x1f: {  	s16 =	sadd.s32 $0x1, s12;
	s13 =	smov.u32 s11;
	[sflag:s14] =	ssyncset.done @!p0 $0x0  }
0x20: {  	s12 =	smov.u32 s16;
	s11 =	smov.u32 s15;
	[sflag:s14] =	ssyncadd.s32 @!p0 $0xFFFFE0C0  }
.LBB2_1:
0x21: {  	p0 =	sge.u32 s12, s7  }
0x22: {  	s14 =	sxor.u32 @!p0 $0x1, s12  }
0x23: {  	s14 =	smul.u32 @!p0 $0x7D00, s14  }
0x24: {  	s31 =	sadd.s32 $0xFFFFFFFF, s12;
	s15 =	sshrl.u32 @!p0 s11, $0x3  }
0x25: {  	s16 =	sand.u32 @!p0 $0x7, s11;
	s15 =	sadd.s32 @!p0 s3, s15;
	s14 =	sshra.s32 @!p0 s14, $0x2  }
0x26: {  	[tilespmem:s14], [sflag:$0x2] =	stream.linear.gather @!p0 [hbm4b:s15+s16], $0x1F40, $0x38;
	[tilespmem:$0x7D00] =	vst v63  }
0x27: {  	p0 =	sge.u32 s31, s7  }
.Ltmp2:
0x28: {  	_ = 	snop;
	(pc) =	sbr.rel @p0 .LBB2_5-.Ltmp2, $1  }
0x29: {  	_ =	sdelay $0x3  }
0x2a: {  	s14 =	sand.u32 $0x1, s12  }
0x2b: {  	_ =	swait.ge [sflag:s6], $0x1F40;
	p0 =	seq.s32 s14, $0x1;
	s14 =	simm.s32 $0x1F40  }
0x2c: {  	[sflag:s6] =	ssyncset.done $0x0;
	s14 =	simm.s32 @!p0 $0x0  }
0x2d: {  	[sflag:s6] =	ssyncadd.s32 $0xFFFFE0C0;
	(ifvalue) =	ssetifvalue $0x7FFFFFFF;
	v0 =	vld.msk [tilespmem:s14+$0x0 ss:$0x1], $0xffff;
	_ =	sdelay $0x4  }
0x2e: {  	s15 =	sadd.s32 $0x10, s14;
	vm1 =	vgt.s32 v0, $0x0  }
0x2f: {  	v2 =	vld.msk [tilespmem:s15+$0x0 ss:$0x1], $0xffff;
	v1 =	vnsel vm1, $0x0, v0  }
0x30: {  	v1 =	vmin.u32 v1, $0x4E1FF;
	_ =	sdelay $0x2  }
0x31: {  	s17 =	simm.s32 $0x20;
	s14 =	sadd.s32 $0x3E80, s14;
	s16 =	sadd.s32 $0x10, s15  }
0x32: {  	s15 =	sadd.s32 $0x10, s14;
	s18 =	smov.u32 s14;
	v0 =	vld.msk [tilespmem:s16+$0x0 ss:$0x1], $0xffff;
	vm1 =	vgt.s32 v2, $0x0;
	(ifvalue) =	ssetifvalue $0x7FFFFFFF  }
.LBB2_3:
0x33: {  	[tilespmem:s18], [sflag:$0x1] =	stream.indirect_vreg.gather [hbm4b:s2+s10], $0x1, v1, vm0, $0x4038;
	[tilespmem:$0x7D00] =	vst v63  }
0x34: {  	s17 =	sadd.s32 $0x10, s17  }
0x35: {  	v2 =	vnsel vm1, $0x0, v2;
	p0 =	slt.u32 s17, $0x1F30  }
.Ltmp3:
0x36: {  	s18 =	smov.u32 s15;
	v1 =	vmin.u32 v2, $0x4E1FF;
	(pc) =	sbr.rel @p0 .LBB2_3-.Ltmp3, $3  }
0x37: {  	_ =	sdelay $0x1  }
0x38: {  	s16 =	sadd.s32 $0x10, s16  }
0x39: {  	vm1 =	vgt.s32 v0, $0x0;
	s15 =	sadd.s32 $0x10, s15;
	v2 =	vmov v0;
	(ifvalue) =	ssetifvalue $0x7FFFFFFF;
	v0 =	vld.msk [tilespmem:s16+$0x0 ss:$0x1], $0xffff  }
.Ltmp4:
0x3a: {  	_ = 	snop;
	(pc) =	sbr.rel .LBB2_4-.Ltmp4, $1  }
0x3b: {  	_ =	sdelay $0x3  }
.LBB2_6:
0x3c: {  	_ =	sfence.sel $0x180000  }
0x3d: {  	s2 =	simm.s32 $0x2;
	[bflag:$0x0] =	sbarrier.arrive $0xFFFF  }
0x3e: {  	s30 =	simm.s32 $0x3;
	[sflag:s2] =	ssyncpa.u1 $0x1  }
0x3f: {  	s31 =	simm.s32 $0x1;
	[sflag:s30] =	ssyncpa.u1 $0x1  }
0x40: {  	[sflag:s31] =	ssyncpa.u1 $0x1  }
0x41: {  	p0 =	sne.s32 s1, $0x0;
	_ =	strace $0x9000004A  }
0x42: {  	s0 =	sadd.s32 @!p0 $0x100000, s0;
	[bflag:$0x2] =	sbarrier.arrive $0xFFFF  }
0x43: {  	[sflag:s0] =	ssyncadd.tile.s32 @!p0 $0x1;
	_ =	shalt  }
.Lfunc_end2:
_tile_overlayer_lowered:
.L_overlay_start_2:
0x44: {  	(tag) =	ssettag $0x2  }
0x45: {  	s0 =	rddreg [dreg:$0x0];
	s2 =	stileid.u32  }
0x46: {  	s1 =	rddreg [dreg:$0x1];
	p0 =	sne.s32 s2, $0x0  }
0x47: {  	s3 =	rddreg [dreg:$0x2];
	[bflag:$0x3] =	sbarrier.arrive $0xFFFF;
	s2 =	simm.s32 @!p0 $0x1C01  }
0x48: {  	[timem:s3], [sflag:s2] =	dma.local @!p0 [hbm:s0], s1  }
0x49: {  	s0 =	simm.s32 @!p0 $0x1  }
0x4a: {  	_ =	swait.ge @!p0 [sflag:s0], s1  }
0x4b: {  	s1 =	ssub.s32 @!p0 $0x0, s1;
	[sflag:s0] =	ssyncset.done @!p0 $0x0  }
0x4c: {  	[sflag:s0] =	ssyncadd.s32 @!p0 s1  }
0x4d: {  	[bflag:$0x3] =	sbarrier.arrive $0xFFFF  }
0x4e: {  	_ =	shalt  }

// kernel: scatter_offload_async_start
scs
__scs_entry_jumppad:
0x0: {  	(pc) =	sbr.rel $0x88, $3  }
0x1: {  	(tag) =	ssettag $0x0;
	lr =	simm.s32 $0x1  }
0x2: {  	[smem:$0x3F8B] =	sst lr;
	_ =	strace $0xD0000000  }
0x3: {  	_ = 	snop  }
0x4: {  	_ = 	snop  }
0x5: {  	_ = 	snop  }
0x6: {  	_ = 	snop  }
0x7: {  	_ = 	snop  }
__scs_overlays_trampoline_lowered:
0x8: {  	[smem:$0x3F9A] =	sst s0  }
0x9: {  	[smem:$0x3F9B] =	sst s1  }
0xa: {  	[smem:$0x3F9C] =	sst s2  }
0xb: {  	[smem:$0x3F9D] =	sst s3  }
0xc: {  	[smem:$0x3F9E] =	sst s4  }
0xd: {  	[smem:$0x3F9F] =	sst s5  }
0xe: {  	[smem:$0x3FA0] =	sst s6  }
0xf: {  	[smem:$0x3FA1] =	sst s7  }
0x10: {  	[smem:$0x3FA2] =	sst s8  }
0x11: {  	[smem:$0x3FA3] =	sst s9;
	s0 =	simm.s32 @!p0 $0x0  }
0x12: {  	s1 =	sld [smem:$0x3F89];
	s0 =	simm.s32 @p0 $0x1  }
0x13: {  	[smem:$0x3FA4] =	sst s0;
	s0 =	simm.s32 @!p1 $0x0  }
0x14: {  	s2 =	sld [smem:$0x3F88];
	s0 =	simm.s32 @p1 $0x1  }
0x15: {  	[smem:$0x3FA5] =	sst s0;
	s0 =	simm.s32 @!p2 $0x0  }
0x16: {  	s3 =	sld [smem:$0x3FDB];
	s0 =	simm.s32 @p2 $0x1  }
0x17: {  	s4 =	simm.s32 $0x1BF5;
	[smem:$0x3FA7] =	sst s0  }
0x18: {  	s0 =	sld [smem:$0x3F8A];
	_ =	swait.ge [sflag:s4], $0x0  }
0x19: {  	s7 =	sld [smem:$0x3F8B]  }
0x1a: {  	s8 =	sadd.s32 $0xFFFFE003, lr  }
0x1b: {  	s9 =	sadd.s32 $0xFFFFFEF7, lr;
	s5 =	simm.s32 $0xFFFFFFFF;
	p2 =	slt.u32 s8, $0xFFFFF086  }
0x1c: {  	p1 =	slt.u32 s9, $0xF7A;
	s5 =	simm.s32 @!p2 $0x0  }
0x1d: {  	s5 =	simm.s32 @p1 $0x1;
	p0 =	seq.s32 s7, s2  }
0x1e: {  	s7 =	smul.u32 @!p0 $0xF7A, s2;
	p2 =	seq.s32 @!p0 s5, $0x0  }
0x1f: {  	s9 =	smul.u32 $0xF7A, s1;
	s8 =	simm.s32 @!p0 $0x1BF5;
	p2 =	por !p2, p0  }
0x20: {  	[sflag:s8] =	ssyncset.s32 @!p0 $0xFFFFF086;
	s6 =	sadd.s32 @!p0 s3, s7;
	s7 =	simm.s32 @!p0 $0x108  }
0x21: {  	s3 =	sadd.s32 s3, s9;
	s6 =	sadd.s32 @!p0 $0x88, s6;
	s7 =	simm.s32 @p2 $0x1082  }
0x22: {  	[simem:s7], [sflag:s8] =	dma.local @!p0 [hbm:s6], $0xF7A  }
0x23: {  	s9 =	sor.u32 $0xD0000000, s2;
	s6 =	simm.s32 $0x108;
	_ =	swait.ge @!p0 [sflag:s8], $0x0  }
0x24: {  	s3 =	sadd.s32 $0x88, s3;
	s6 =	simm.s32 @!p1 $0x1082;
	[sflag:s4] =	ssyncset.s32 $0xFFFFF086  }
0x25: {  	[simem:s6], [sflag:s4] =	dma.local [hbm:s3], $0xF7A  }
0x26: {  	[smem:$0x3F8B] =	sst s1;
	(tag) =	ssettag s2;
	_ =	strace s9  }
0x27: {  	s1 =	sld [smem:$0x3F9B]  }
0x28: {  	s2 =	sld [smem:$0x3F9C]  }
0x29: {  	s4 =	sld [smem:$0x3F9E]  }
0x2a: {  	p0 =	seq.s32 s5, $0x0;
	s5 =	sld [smem:$0x3F9F]  }
0x2b: {  	s6 =	sld [smem:$0x3FA0]  }
0x2c: {  	s7 =	sld [smem:$0x3FA1]  }
0x2d: {  	s3 =	simm.s32 $0x108;
	s8 =	sld [smem:$0x3FA2]  }
0x2e: {  	s3 =	simm.s32 @!p0 $0x1082;
	s9 =	sld [smem:$0x3FA3]  }
0x2f: {  	lr =	sadd.s32 s0, s3;
	s0 =	sld [smem:$0x3F9A]  }
0x30: {  	s3 =	sld [smem:$0x3F9D]  }
0x31: {  	[smem:$0x3FA6] =	sst s10  }
0x32: {  	s10 =	sld [smem:$0x3FA4];
	_ =	sdelay $0x3  }
0x33: {  	p0 =	seq.s32 s10, $0x1;
	s10 =	sld [smem:$0x3FA6];
	_ =	sdelay $0x3  }
0x34: {  	[smem:$0x3FA6] =	sst s10  }
0x35: {  	s10 =	sld [smem:$0x3FA5];
	_ =	sdelay $0x3  }
0x36: {  	p1 =	seq.s32 s10, $0x1;
	s10 =	sld [smem:$0x3FA6];
	_ =	sdelay $0x3  }
0x37: {  	[smem:$0x3FA6] =	sst s10  }
0x38: {  	s10 =	sld [smem:$0x3FA7]  }
0x39: {  	_ = 	snop;
	(pc) =	sbr.ind lr, $3  }
0x3a: {  	_ = 	snop  }
0x3b: {  	_ = 	snop  }
0x3c: {  	p2 =	seq.s32 s10, $0x1;
	s10 =	sld [smem:$0x3FA6]  }
0x3d: {  	_ =	shalt  }
0x3e: {  	_ =	shalt  }
0x3f: {  	_ =	shalt  }
0x40: {  	_ =	shalt  }
0x41: {  	_ =	shalt  }
0x42: {  	_ =	shalt  }
0x43: {  	_ =	shalt  }
0x44: {  	_ =	shalt  }
0x45: {  	_ =	shalt  }
0x46: {  	_ =	shalt  }
0x47: {  	_ =	shalt  }
0x48: {  	_ =	shalt  }
0x49: {  	_ =	shalt  }
0x4a: {  	_ =	shalt  }
0x4b: {  	_ =	shalt  }
0x4c: {  	_ =	shalt  }
0x4d: {  	_ =	shalt  }
0x4e: {  	_ =	shalt  }
0x4f: {  	_ =	shalt  }
0x50: {  	_ =	shalt  }
0x51: {  	_ =	shalt  }
0x52: {  	_ =	shalt  }
0x53: {  	_ =	shalt  }
0x54: {  	_ =	shalt  }
0x55: {  	_ =	shalt  }
0x56: {  	_ =	shalt  }
0x57: {  	_ =	shalt  }
0x58: {  	_ =	shalt  }
0x59: {  	_ =	shalt  }
0x5a: {  	_ =	shalt  }
0x5b: {  	_ =	shalt  }
0x5c: {  	_ =	shalt  }
0x5d: {  	_ =	shalt  }
0x5e: {  	_ =	shalt  }
0x5f: {  	_ =	shalt  }
0x60: {  	_ =	shalt  }
0x61: {  	_ =	shalt  }
0x62: {  	_ =	shalt  }
0x63: {  	_ =	shalt  }
0x64: {  	_ =	shalt  }
0x65: {  	_ =	shalt  }
0x66: {  	_ =	shalt  }
0x67: {  	_ =	shalt  }
0x68: {  	_ =	shalt  }
0x69: {  	_ =	shalt  }
0x6a: {  	_ =	shalt  }
0x6b: {  	_ =	shalt  }
0x6c: {  	_ =	shalt  }
0x6d: {  	_ =	shalt  }
0x6e: {  	_ =	shalt  }
0x6f: {  	_ =	shalt  }
0x70: {  	_ =	shalt  }
0x71: {  	_ =	shalt  }
0x72: {  	_ =	shalt  }
0x73: {  	_ =	shalt  }
0x74: {  	_ =	shalt  }
0x75: {  	_ =	shalt  }
0x76: {  	_ =	shalt  }
0x77: {  	_ =	shalt  }
0x78: {  	_ =	shalt  }
0x79: {  	_ =	shalt  }
0x7a: {  	_ =	shalt  }
0x7b: {  	_ =	shalt  }
0x7c: {  	_ =	shalt  }
0x7d: {  	_ =	shalt  }
0x7e: {  	_ =	shalt  }
0x7f: {  	_ =	shalt  }
0x80: {  	_ =	shalt  }
0x81: {  	_ =	shalt  }
0x82: {  	_ =	shalt  }
0x83: {  	_ =	shalt  }
0x84: {  	_ =	shalt  }
0x85: {  	_ =	shalt  }
0x86: {  	_ =	shalt  }
0x87: {  	_ =	shalt  }
.Lfunc_end0:
.L_simem_size_0:
called_computation_lowered:
.L_overlay_start_0:
0x88: {  	s0 =	sld [smem:$0x3FD9]  }
0x89: {  	s1 =	sld [smem:$0x3FFE];
	_ =	sdelay $0x3  }
0x8a: {  	s0 =	sadd.s32 s1, s0  }
0x8b: {  	[smem:$0x3FB2] =	sst s0  }
0x8c: {  	_ = 	snop  }
0x8d: {  	(tm) =	ssettm $0x1  }
0x8e: {  	s15 =	sld [smem:$0x3FFB];
	_ =	sdelay $0x3  }
0x8f: {  	_ =	strace s15  }
0x90: {  	s0 =	sld [smem:$0x3FFC];
	_ =	sdelay $0x3  }
0x91: {  	_ =	strace s0  }
0x92: {  	s0 =	sld [smem:$0x3FFD];
	_ =	sdelay $0x3  }
0x93: {  	_ =	strace s0  }
0x94: {  	_ =	strace $0x8FFFFFFF  }
0x95: {  	s16 =	sld [smem:$0x3FDB];
	_ =	sdelay $0x1  }
0x96: {  	s17 =	simm.s32 $_scs_section_size  }
0x97: {  	s2 =	simm.s32 $_size__tile_overlayer_lowered;
	s3 =	simm.s32 $_tile_overlayer_lowered  }
0x98: {  	s20 =	simm.s32 $0x1BFF;
	s19 =	sshll.u32 s3, $0x1;
	s0 =	sadd.s32 s17, s16  }
0x99: {  	s4 =	simm.s32 $0x0;
	s18 =	sshll.u32 s2, $0x1;
	s2 =	sadd.s32 s19, s0  }
0x9a: {  	[timem:s4], [sflag:s20] =	dma.local [hbm:s2], s18  }
0x9b: {  	_ =	swait.ge [sflag:s20], s18  }
0x9c: {  	s1 =	ssub.s32 $0x0, s18;
	[sflag:s20] =	ssyncset.done $0x0  }
0x9d: {  	[sflag:s20] =	ssyncadd.s32 s1;
	_ =	sdelay $0x1  }
0x9e: {  	s21 =	simm.s32 $0x1B8B  }
0x9f: {  	_ =	swait.ge [sflag:s21], $0x1  }
0xa0: {  	[sflag:s21] =	ssyncset.done $0x0  }
0xa1: {  	s23 =	simm.s32 $0x1B8E;
	s22 =	sld [smem:$0x3FFE];
	[sflag:s21] =	ssyncadd.s32 $0xFFFFFFFF  }
0xa2: {  	s24 =	simm.s32 $execute0_lowered;
	[smem:$0x3FD2] =	sst s23  }
0xa3: {  	s2 =	sshll.u32 s24, $0x1;
	_ =	strace $0x8000004C;
	[dreg:$0x1] =	wrdreg $0xFFFFFFFF  }
0xa4: {  	s25 =	simm.s32 $_size_execute0_lowered;
	s0 =	sadd.s32 s0, s2;
	[dreg:$0x0] =	wrdreg $0x0  }
0xa5: {  	s2 =	sshll.u32 s25, $0x1;
	[dreg:$0x2] =	wrdreg s0  }
0xa6: {  	[dreg:$0x3] =	wrdreg s2  }
0xa7: {  	[dreg:$0x4] =	wrdreg $0xC0  }
0xa8: {  	_ =	task [dreg:s4], $0x5FFFF  }
0xa9: {  	[dreg:$0x1] =	wrdreg $0xFFFFFFFF  }
0xaa: {  	[dreg:$0x0] =	wrdreg $0x60  }
0xab: {  	[dreg:$0x2] =	wrdreg s22  }
0xac: {  	[dreg:$0x3] =	wrdreg $0x9  }
0xad: {  	_ =	task.clear_ibuf [dreg:s4], $0x4FFFF;
	_ =	strace $0x9000004C  }
0xae: {  	s26 =	simm.s32 $0x9;
	_ =	strace $0x8000004E  }
0xaf: {  	_ =	swait.ge [sflag:s26], $0x1  }
0xb0: {  	[sflag:s26] =	ssyncadd.s32 $0xFFFFFFFF  }
0xb1: {  	_ =	strace $0x9000004E  }
0xb2: {  	_ =	sfence  }
0xb3: {  	s28 =	sld [smem:$0x0];
	_ =	sdelay $0x1  }
0xb4: {  	s29 =	srdreg.scid  }
0xb5: {  	s30 =	sshll.u32 s29, $0xD;
	s31 =	sshrl.u32 s29, $0x2  }
0xb6: {  	s1 =	sand.u32 $0x1, s29;
	s2 =	sand.u32 $0x4000, s30;
	s0 =	sadd.s32 s31, s28  }
0xb7: {  	s1 =	sor.u32 s2, s1;
	s0 =	sshll.u32 s0, $0x11  }
0xb8: {  	s0 =	sor.u32 s0, s1  }
0xb9: {  	s0 =	sadd.s32 $0x8F2B, s0  }
0xba: {  	[sflag:s0] =	ssyncadd.remote.s32 $0x1  }
0xbb: {  	_ =	sfence.sel $0xFFFF  }
0xbc: {  	[dreg:$0x0] =	wrdreg $0xFFFFFFFF;
	(pc) =	sbr.abs _section_cstart, $3  }
0xbd: {  	[dreg:$0x1] =	wrdreg $0xFFFFFFFF  }
0xbe: {  	_ =	task.clear_ibuf [dreg:s4], $0x2FFFF;
	_ =	strace $0x9FFFFFFF  }
0xbf: {  	(tm) =	ssettm $0x7FFFFFFF  }
tec
execute0_lowered:
.L_overlay_start_1:
0x0: {  	(tag) =	ssettag $0x1  }
0x1: {  	s0 =	rddreg [dreg:$0x0];
	_ =	strace $0x8000004D;
	s15 =	stileid.u32  }
0x2: {  	s2 =	simm.s32 $0x1;
	s1 =	smin.u32 s15, $0x8;
	s3 =	sshll.u32 s15, $0x1  }
0x3: {  	v1 =	vimm.s32 $0xFFFFFFFF;
	[sflag:s2] =	ssyncpa.u1 $0x0;
	s1 =	sadd.s32 s1, s3  }
0x4: {  	p0 =	slt.u32 s15, $0x8;
	[tilespmem:$0x10] =	vst v1;
	s4 =	smul.u32 $0x1F40, s1;
	s1 =	simm.s32 $0x5DC0  }
0x5: {  	v0 =	vimm.f32 $0.0e+00;
	[tilespmem:$0x20] =	vst v1;
	s1 =	simm.s32 @!p0 $0x3E80  }
0x6: {  	[tilespmem:$0x30] =	vst v0;
	s1 =	sadd.s32 s1, s4  }
0x7: {  	[tilespmem:$0x40] =	vst v0;
	s5 =	smin.u32 s1, $0x4E200  }
0x8: {  	s7 =	simm.s32 $0x2;
	s8 =	simm.s32 $0x8;
	[tilespmem:$0x50] =	vst v0;
	s9 =	ssub.s32 s5, s4  }
0x9: {  	s31 =	simm.s32 $0x9;
	s16 =	simm.s32 $0x0;
	[tilespmem:$0x60] =	vst v1;
	p0 =	sgt.s32 s9, $0x0  }
0xa: {  	s17 =	simm.s32 $0xF0;
	s18 =	simm.s32 $0xFFFFFFFF;
	[tilespmem:$0x70] =	vst v1;
	s9 =	simm.s32 @!p0 $0x0  }
0xb: {  	s19 =	simm.s32 $0xFFFFC280;
	s20 =	simm.s32 $0xFFFFFFFE;
	[tilespmem:$0x80] =	vst v1;
	s30 =	smulhi.u32 $0x10624DD3, s9  }
0xc: {  	s21 =	simm.s32 $0xF;
	s25 =	simm.s32 $0x0;
	s24 =	simm.s32 $0x0;
	v1 =	vimm.s32 $0x0;
	[tilespmem:$0xB0] =	vst v0  }
0xd: {  	s6 =	sadd.s32 $0x27A00, s0;
	s15 =	sshllo.u32 s15, $0x1;
	[tilespmem:$0x90] =	vst v1;
	s10 =	sshrl.u32 s30, $0x9  }
0xe: {  	[tilespmem:$0xA0] =	vst v1;
	[sflag:s7] =	ssyncpa.u1 $0x0;
	s7 =	simm.s32 $0x7;
	s11 =	smul.u32 $0x1F40, s10  }
.Ltmp0:
0xf: {  	s13 =	sor.u32 $0x80, s3;
	[sflag:s7] =	ssyncpa.u1 $0x0;
	(pc) =	sbr.rel .LBB2_1-.Ltmp0, $4  }
0x10: {  	s14 =	sor.u32 $0x81, s3;
	[sflag:s8] =	ssyncpa.u1 $0x0;
	p0 =	sne.s32 s9, s11  }
0x11: {  	s23 =	smov.u32 s4;
	s1 =	sadd.s32 $0x9FA400, s0;
	s2 =	simm.s32 @!p0 $0x0  }
0x12: {  	vm0 =	vmmov $0xffff;
	v2 =	vlaneseq.u32;
	[sflag:s31] =	ssyncpa.u1 $0x0;
	s9 =	sadd.s32 $0x3B600, s0;
	s10 =	sadd.s32 s2, s10  }
0x13: {  	vm1 =	vmxor vm1, vm1;
	vm2 =	vmmov $0x1;
	vm3 =	vcmask $0x3F3C;
	p0 =	por $0x0, $0x0;
	s11 =	sadd.s32 $0x1, s10;
	s12 =	sadd.s32 $0x2, s10  }
.LBB2_9:
0x14: {  	p1 =	slt.u32 s24, $0x3  }
0x15: {  	s0 =	simm.s32 @!p1 $0x2  }
0x16: {  	_ =	swait.ge @!p1 [sflag:s0], $0x1F40  }
0x17: {  	[sflag:s0] =	ssyncset.done @!p1 $0x0  }
0x18: {  	[sflag:s0] =	ssyncadd.s32 @!p1 $0xFFFFE0C0;
	s0 =	simm.s32 @!p1 $0x9  }
0x19: {  	_ =	swait.ge @!p1 [sflag:s0], $0x10  }
0x1a: {  	[sflag:s0] =	ssyncset.done @!p1 $0x0  }
0x1b: {  	[sflag:s0] =	ssyncadd.s32 @!p1 $0xFFFFFFF0;
	p1 =	sne.s32 s24, s12  }
.Ltmp1:
0x1c: {  	s2 =	sadd.s32 $0x1F40, s23;
	(pc) =	sbr.rel @!p1 .LBB2_10-.Ltmp1, $4  }
0x1d: {  	s22 =	smov.u32 s4;
	s31 =	sadd.s32 $0x1, s24;
	s17 =	sadd.s32 $0x1F40, s17  }
0x1e: {  	s18 =	sadd.s32 $0x1, s18;
	s25 =	smov.u32 s23;
	p2 =	slt.s32 s2, s5  }
0x1f: {  	p0 =	por !p0, !p0;
	s19 =	sadd.s32 $0x1F40, s19;
	s22 =	smov.u32 @p2 s2  }
0x20: {  	s20 =	sadd.s32 $0x1, s20;
	s23 =	smov.u32 s22;
	s24 =	smov.u32 s31  }
.LBB2_1:
0x21: {  	p1 =	sge.u32 s24, s10  }
0x22: {  	s0 =	smulhi.u32 @!p1 $0xAAAAAAAB, s24;
	_ =	sdelay $0x1  }
0x23: {  	s0 =	sshrl.u32 @!p1 s0, $0x1  }
0x24: {  	s0 =	smul.u32 @!p1 $0x3, s0;
	_ =	sdelay $0x1  }
0x25: {  	s0 =	ssub.s32 @!p1 s24, s0  }
0x26: {  	s0 =	smul.u32 @!p1 $0x7D00, s0;
	_ =	sdelay $0x1  }
0x27: {  	s2 =	sshrl.u32 @!p1 s23, $0x3;
	s0 =	sshrl.u32 @!p1 s0, $0x2  }
0x28: {  	s22 =	sand.u32 @!p1 $0x7, s23;
	s2 =	sadd.s32 @!p1 s6, s2;
	s0 =	sadd.s32 @!p1 $0x100, s0  }
0x29: {  	[tilespmem:s0], [sflag:$0x7] =	stream.linear.gather @!p1 [hbm4b:s2+s22], $0x1F40, $0x38;
	[tilespmem:$0x11A60] =	vst v63  }
0x2a: {  	s0 =	sadd.s32 $0xFFFFFFFF, s24  }
0x2b: {  	p1 =	sge.u32 s0, s10  }
.Ltmp2:
0x2c: {  	_ = 	snop;
	(pc) =	sbr.rel @p1 .LBB2_5-.Ltmp2, $1  }
0x2d: {  	_ =	sdelay $0x3  }
0x2e: {  	s2 =	smulhi.u32 $0xAAAAAAAB, s0;
	_ =	sdelay $0x1  }
0x2f: {  	s2 =	sshrl.u32 s2, $0x1  }
0x30: {  	s2 =	smul.u32 $0x3, s2;
	_ =	sdelay $0x1  }
0x31: {  	s2 =	ssub.s32 s0, s2  }
0x32: {  	s2 =	smul.u32 $0x7D00, s2  }
0x33: {  	_ =	swait.ge [sflag:s7], $0x1F40  }
0x34: {  	[sflag:s7] =	ssyncset.done $0x0;
	s2 =	sshrl.u32 s2, $0x2  }
0x35: {  	[sflag:s7] =	ssyncadd.s32 $0xFFFFE0C0;
	(ifvalue) =	ssetifvalue $0xFFFFFFFF;
	v3 =	vld.msk [tilespmem:s2+$0x100 ss:$0x1], $0xffff;
	_ =	sdelay $0x2  }
0x36: {  	s30 =	smulhi.u32 $0xAAAAAAAB, s18;
	p1 =	sne.s32 s24, $0x1  }
0x37: {  	v4 =	vimm.s32 @!p1 $0x0  }
0x38: {  	s2 =	sshrl.u32 s30, $0x1;
	v4 =	vperm.xlane @!p1 v3, v4  }
0x39: {  	s22 =	sshll.u32 s24, $0x4;
	s2 =	smul.u32 $0xFFFE8900, s2;
	vm4 =	vlt.u32 v3, $0x2800  }
0x3a: {  	s22 =	sand.u32 $0x10, s22;
	v3 =	vnsel vm4, $0xFFFFFFFE, v3;
	vm4 =	vlt.u32 @!p1 v4, $0x2800  }
0x3b: {  	s2 =	sshra.s32 s2, $0x2;
	[tilespmem:s22+$0x60] =	vst v3;
	v3 =	vnsel @!p1 vm4, $0xFFFFFFFE, v4  }
0x3c: {  	s28 =	sadd.s32 s2, s17;
	[tilespmem:$0x80] =	vst @!p1 v3  }
0x3d: {  	v3 =	vld.msk [tilespmem:s28+$0x0 ss:$0x1], $0xffff;
	_ =	sdelay $0x4  }
0x3e: {  	(xrf1) =	vunique.msk.u32 $0xffff, v3;
	_ =	sdelay $0xd  }
0x3f: {  	v4 =	vimm.s32 $0xFFFFFFFF;
	v5, _, _ =	vpop (xrf1)  }
0x40: {  	vm5 =	vne.s32 v3, v4;
	vm4 =	veq.s32 v5, v2  }
0x41: {  	vm6 =	vlt.u32 v3, $0x2800;
	vm4 =	vmand vm5, vm4  }
0x42: {  	vm4 =	vmand vm6, vm4  }
0x43: {  	v4 =	vnsel vm4, $0xFFFFFFFF, v3  }
0x44: {  	s31 =	sand.u32 $0x1, s0  }
0x45: {  	s0 =	simm.s32 $0x1F40;
	p1 =	seq.s32 s31, $0x1  }
0x46: {  	s0 =	simm.s32 @!p1 $0x0  }
0x47: {  	s26 =	sadd.s32 $0x7DF0, s0;
	(ifvalue) =	ssetifvalue $0xFFFFFFFF  }
0x48: {  	v3 =	vperm.xlane v3, v1;
	[tilespmem:s26], [sflag:$0x8] =	stream.indirect_vreg.gather [hbm4b:s1+s16], $0x1, v4, vm0, $0x4038;
	v4 =	vnsel vm6, $0xFFFFFFFE, v4;
	[tilespmem:$0x11A60] =	vst v63  }
0x49: {  	s2 =	simm.s32 $0x0;
	s22 =	sadd.s32 $0xFFFFFFF0, s28;
	[tilespmem:s28+$0x0] =	vst v4  }
.LBB2_3:
0x4a: {  	v4 =	vld.msk [tilespmem:s22+$0x0 ss:$0x1], $0xffff;
	s2 =	sadd.s32 $0x10, s2;
	v5 =	vmov v3;
	s28 =	smov.u32 s22  }
0x4b: {  	p1 =	slt.u32 s2, $0x1F30;
	_ =	sdelay $0x4  }
0x4c: {  	v3 =	vperm.xlane v4, v1;
	(xrf1) =	vunique.msk.u32 $0xffff, v4;
	_ =	sdelay $0xd  }
0x4d: {  	v6, _, _ =	vpop (xrf1)  }
0x4e: {  	vm5 =	vne.s32 v4, v5;
	vm4 =	veq.s32 v6, v2  }
0x4f: {  	vm6 =	vlt.u32 v4, $0x2800;
	vm4 =	vmand vm5, vm4  }
0x50: {  	vm4 =	vmand vm6, vm4  }
0x51: {  	v4 =	vnsel vm4, $0xFFFFFFFF, v4  }
.Ltmp3:
0x52: {  	v5 =	vnsel vm6, $0xFFFFFFFE, v4;
	(pc) =	sbr.rel @p1 .LBB2_3-.Ltmp3, $3  }
0x53: {  	_ =	sdelay $0x1  }
0x54: {  	s22 =	sadd.s32 $0xFFFFFFF0, s22;
	s26 =	sadd.s32 $0xFFFFFFF0, s26;
	(ifvalue) =	ssetifvalue $0xFFFFFFFF  }
0x55: {  	[tilespmem:s26], [sflag:$0x8] =	stream.indirect_vreg.gather [hbm4b:s1+s16], $0x1, v4, vm0, $0x4038;
	[tilespmem:s28+$0x0] =	vst v5  }
0x56: {  	s2 =	sshrl.u32 s25, $0x3  }
0x57: {  	s0 =	sadd.s32 $0x9D40, s0;
	s2 =	sadd.s32 s9, s2  }
0x58: {  	[tilespmem:s0], [sflag:$0x8] =	stream.linear.gather [hbm:s2], $0x1F40, $0x38;
	[tilespmem:$0x11A60] =	vst v63  }
.LBB2_5:
0x59: {  	p1 =	slt.u32 s24, $0x2  }
0x5a: {  	p2 =	sge.u32 @!p1 s24, s12  }
0x5b: {  	p1 =	por p1, p2  }
.Ltmp4:
0x5c: {  	_ = 	snop;
	(pc) =	sbr.rel @p1 .LBB2_9-.Ltmp4, $1  }
0x5d: {  	_ =	sdelay $0x3  }
0x5e: {  	s0 =	sadd.s32 $0xFFFFFFFE, s24  }
0x5f: {  	s2 =	smulhi.u32 $0xAAAAAAAB, s0;
	_ =	sdelay $0x1  }
0x60: {  	s2 =	sshrl.u32 s2, $0x1  }
0x61: {  	s2 =	smul.u32 $0x3, s2;
	_ =	sdelay $0x1  }
0x62: {  	s0 =	ssub.s32 s0, s2  }
0x63: {  	_ =	swait.ge [sflag:s8], $0x3E80;
	s0 =	smul.u32 $0x1F40, s0  }
0x64: {  	p1 =	sne.s32 s24, s11;
	[sflag:s8] =	ssyncset.done $0x0  }
0x65: {  	[sflag:s8] =	ssyncadd.s32 $0xFFFFC180;
	s2 =	sadd.s32 @!p1 $0x203F, s0  }
0x66: {  	[spmem:s14] =	stream.linear.scatter @!p1 [tilespmem:s2], [sflag:$0x1], $0x1, $0x38;
	[tilespmem:$0x11A60] =	vst v63  }
0x67: {  	s2 =	simm.s32 @!p1 $0x1  }
0x68: {  	_ =	swait.ge @!p1 [sflag:s2], $0x1  }
0x69: {  	s22 =	sshll.u32 s24, $0x4;
	[sflag:s2] =	ssyncset.done @!p1 $0x0  }
0x6a: {  	s25 =	sand.u32 $0x10, s22;
	[sflag:s2] =	ssyncadd.s32 @!p1 $0xFFFFFFFF  }
0x6b: {  	s2 =	sxor.u32 $0x10, s25;
	v4 =	vld [tilespmem:s25+$0x10]  }
0x6c: {  	v5 =	vld [tilespmem:s2+$0x60]  }
0x6d: {  	v3 =	vld [tilespmem:$0x80];
	_ =	sdelay $0x2  }
0x6e: {  	(v2sf) =	vpush v4, $0x0  }
0x6f: {  	(v2sf) =	vpush v5, $0x0  }
0x70: {  	(v2sf) =	vpush v3, $0x0;
	_ =	sdelay $0xc  }
0x71: {  	s22 =	spop (v2sf)  }
0x72: {  	s26 =	spop (v2sf)  }
0x73: {  	s28 =	spop (v2sf)  }
0x74: {  	p2 =	seq.s32 s22, s26;
	p3 =	seq.s32 s28, s22  }
0x75: {  	p3 =	por p2, p3  }
0x76: {  	s26 =	sand.u32 $0x1, s24;
	v4 =	vpsel p3, $0xFFFFFFFF, v4  }
0x77: {  	s29 =	smul.u32 $0x1F40, s26;
	[tilespmem:s25+$0x10] =	vst.msk $0x1, v4  }
0x78: {  	v4 =	vld [tilespmem:$0x30]  }
0x79: {  	v5 =	vld [tilespmem:s29+$0x9D40]  }
0x7a: {  	v6 =	vld [tilespmem:s25+$0x40];
	_ =	sdelay $0x3  }
0x7b: {  	vm4 =	vmmov vm1;
	v5 =	vadd.f32 v5, v4  }
0x7c: {  	vm5 =	vmmov vm2;
	vm4 =	vmmov @p2 vm2;
	s22 =	sshll.u32 s26, $0x4;
	v4 =	vadd.f32 v6, v4  }
0x7d: {  	s26 =	sor.u32 $0x11A40, s22;
	vm5 =	vmmov @p3 vm1;
	[tilespmem:s29+$0x9D40] =	vst.msk vm4, v5  }
0x7e: {  	[tilespmem:s26+$0x0] =	vst.msk vm5, v4  }
0x7f: {  	v4 =	vld [tilespmem:s29+$0x7DF0];
	_ =	sdelay $0x3  }
0x80: {  	v5 =	vimm.f32 $0.0e+00  }
0x81: {  	v4 =	vshift.insert v4, v5, s21  }
0x82: {  	s22 =	sor.u32 $0x40, s2  }
0x83: {  	[tilespmem:s22+$0x0] =	vst.msk $0x1, v4  }
0x84: {  	[tilespmem:s29+$0x7DFF] =	vst.msk $0x1, v5  }
0x85: {  	v4 =	vld [tilespmem:s0+$0x2030];
	_ =	sdelay $0x1  }
0x86: {  	s22 =	smulhi.u32 $0xAAAAAAAB, s20;
	s0 =	simm.s32 $0x1  }
0x87: {  	s0 =	simm.s32 @!p0 $0x0  }
0x88: {  	s22 =	sshrl.u32 s22, $0x1;
	s0 =	smul.u32 $0x7D00, s0  }
0x89: {  	s22 =	smul.u32 $0xFFFE8900, s22;
	v4 =	vshift.insert v4, v1, s21  }
0x8a: {  	s0 =	sshrl.u32 s0, $0x2  }
0x8b: {  	s22 =	sshra.s32 s22, $0x2;
	s30 =	sadd.s32 $0x9D40, s0;
	[tilespmem:s2+$0x10] =	vst.msk $0x1, v4  }
0x8c: {  	s22 =	sadd.s32 s22, s19;
	v6 =	vld [tilespmem:s30+$0x0]  }
0x8d: {  	v7 =	vld [tilespmem:s22+$0x0];
	_ =	sdelay $0x3  }
0x8e: {  	v5 =	vadd.f32 v6, v5  }
0x8f: {  	vm4 =	vne.s32 v7, $0xFFFFFFFF  }
0x90: {  	(xrf2) =	vadd.seg.scan.f32 vm4, v5;
	_ =	sdelay $0x3  }
0x91: {  	s31 =	sadd.s32 $0x5EC0, s0;
	v5 =	vperm.xlane v4, v1  }
0x92: {  	v6 =	vld [tilespmem:s31+$0x0]  }
0x93: {  	vm5 =	veq.s32 v7, v3;
	vm6 =	veq.s32 v7, v5  }
0x94: {  	vm7 =	vgt.u32 v7, $0xFFFFFFFD;
	vm6 =	vmor vm6, vm5  }
0x95: {  	vm6 =	vmor vm6, vm7  }
0x96: {  	v9 =	vld [tilespmem:$0xA0];
	v7 =	vsel vm6, $0xFFFFFFFF, v7  }
0x97: {  	v10 =	vld [tilespmem:$0x90];
	v6 =	vsel vm5, $0x0, v6;
	v8, _, _ =	vpop (xrf2)  }
0x98: {  	v6 =	vadd.f32 v8, v6  }
0x99: {  	s0 =	sadd.s32 $0xDBC0, s0  }
0x9a: {  	vm4 =	vmand vm4, vm3;
	[tilespmem:s0+$0x0] =	vst v6;
	(ifvalue) =	ssetifvalue $0xFFFFFFFF  }
0x9b: {  	vm6 =	veq.s32 v9, $0x1;
	[hbm4b:s1+s16] =	stream.indirect_vreg.scatter [tilespmem:s0], [sflag:$0x2], $0x1, v7, vm0, $0x4038;
	v7 =	vsel vm4, $0x0, v8;
	[tilespmem:$0x11A60] =	vst v63  }
0x9c: {  	s2 =	simm.s32 $0x0;
	s22 =	sadd.s32 $0x10, s22;
	vm4 =	vmor vm6, vm5;
	v6 =	vsel vm5, v8, v10;
	v7 =	vshift.insert v7, v0, s21  }
.LBB2_7:
0x9d: {  	v8 =	vld [tilespmem:s22+$0x0];
	s30 =	sadd.s32 $0x10, s30  }
0x9e: {  	s31 =	sadd.s32 $0x10, s31;
	v9 =	vld [tilespmem:s30+$0x0]  }
0x9f: {  	s2 =	sadd.s32 $0x10, s2;
	v10 =	vld [tilespmem:s31+$0x0]  }
0xa0: {  	p2 =	slt.u32 s2, $0x1F30;
	_ =	sdelay $0x2  }
0xa1: {  	v7 =	vadd.f32 v9, v7  }
0xa2: {  	vm5 =	vne.s32 v8, $0xFFFFFFFF  }
0xa3: {  	vm6 =	vmand vm5, vm3;
	(xrf2) =	vadd.seg.scan.f32 vm5, v7;
	_ =	sdelay $0x5  }
0xa4: {  	vm7 =	veq.s32 v8, v5;
	vm5 =	veq.s32 v8, v3  }
0xa5: {  	vm8 =	vgt.u32 v8, $0xFFFFFFFD;
	vm4 =	vmor vm4, vm5;
	vm7 =	vmor vm7, vm5  }
0xa6: {  	vm7 =	vmor vm7, vm8  }
0xa7: {  	v8 =	vsel vm7, $0xFFFFFFFF, v8  }
.Ltmp5:
0xa8: {  	v7 =	vsel vm5, $0x0, v10;
	v9, _, _ =	vpop (xrf2);
	(pc) =	sbr.rel @p2 .LBB2_7-.Ltmp5, $4  }
0xa9: {  	v6 =	vsel vm5, v9, v6;
	v10 =	vadd.f32 v9, v7;
	v7 =	vsel vm6, $0x0, v9  }
0xaa: {  	s0 =	sadd.s32 $0x10, s0;
	v7 =	vshift.insert v7, v0, s21  }
0xab: {  	s22 =	sadd.s32 $0x10, s22;
	[tilespmem:s0+$0x0] =	vst v10;
	(ifvalue) =	ssetifvalue $0xFFFFFFFF  }
0xac: {  	[hbm4b:s1+s16] =	stream.indirect_vreg.scatter [tilespmem:s0], [sflag:$0x2], $0x1, v8, vm0, $0x4038;
	[tilespmem:$0x11A60] =	vst v63  }
0xad: {  	v3 =	vld [tilespmem:s29+$0xFAF0];
	_ =	sdelay $0x4  }
0xae: {  	v3 =	vshift.insert v3, v0, s21  }
0xaf: {  	s0 =	simm.s32 $0x30  }
0xb0: {  	[tilespmem:s0+$0x0] =	vst.msk $0x1, v3  }
0xb1: {  	v3 =	vsel vm4, $0x1, v1;
	[tilespmem:$0x90] =	vst v6  }
0xb2: {  	s0 =	sadd.s32 @!p1 $0xFAFF, s29;
	[tilespmem:$0xA0] =	vst v3  }
0xb3: {  	[spmem:s15] =	stream.linear.scatter @!p1 [tilespmem:s0], [sflag:$0x1], $0x1, $0x38;
	[tilespmem:$0x11A60] =	vst v63  }
0xb4: {  	s0 =	simm.s32 @!p1 $0x1  }
0xb5: {  	v3 =	vmctz.xlane @!p1 vm4;
	_ =	swait.ge @!p1 [sflag:s0], $0x1  }
0xb6: {  	(v2sf) =	vpush @!p1 v4, $0x0  }
0xb7: {  	(v2sf) =	vpush @!p1 v3, $0x0;
	_ =	sdelay $0xd  }
0xb8: {  	s2 =	spop @!p1 (v2sf)  }
0xb9: {  	s22 =	spop @!p1 (v2sf)  }
0xba: {  	p2 =	sne.s32 @!p1 s28, s2;
	p3 =	slt.s32 @!p1 s22, $0xF  }
0xbb: {  	[sflag:s0] =	ssyncset.done @!p1 $0x0;
	p2 =	por p2, p1;
	p3 =	por !p3, p1  }
0xbc: {  	[sflag:s0] =	ssyncadd.s32 @!p1 $0xFFFFFFFF;
	v3 =	vimm.s32 @!p2 $0xFFFFFFFF;
	s22 =	simm.s32 @p3 $0xF  }
0xbd: {  	[tilespmem:$0x80] =	vst @!p2 v3;
	s2 =	sadd.s32 @!p1 $0x90, s22  }
0xbe: {  	[spmem:s3] =	stream.linear.scatter @!p1 [tilespmem:s2], [sflag:$0x1], $0x1, $0x38;
	[tilespmem:$0x11A60] =	vst v63  }
0xbf: {  	_ =	swait.ge @!p1 [sflag:s0], $0x1  }
0xc0: {  	[sflag:s0] =	ssyncset.done @!p1 $0x0  }
0xc1: {  	s2 =	simm.s32 @!p1 $0x80;
	[sflag:s0] =	ssyncadd.s32 @!p1 $0xFFFFFFFF  }
0xc2: {  	[spmem:s13] =	stream.linear.scatter @!p1 [tilespmem:s2], [sflag:$0x1], $0x1, $0x38;
	[tilespmem:$0x11A60] =	vst v63  }
0xc3: {  	_ =	swait.ge @!p1 [sflag:s0], $0x1  }
0xc4: {  	[sflag:s0] =	ssyncset.done @!p1 $0x0  }
0xc5: {  	[sflag:s0] =	ssyncadd.s32 @!p1 $0xFFFFFFFF;
	(ifvalue) =	ssetifvalue $0xFFFFFFFF;
	v3 =	vld [tilespmem:s25+$0x10];
	_ =	sdelay $0x3  }
.Ltmp6:
0xc6: {  	_ = 	snop;
	(pc) =	sbr.rel .LBB2_9-.Ltmp6, $3  }
0xc7: {  	_ =	sdelay $0x1  }
0xc8: {  	(ifvalue) =	ssetifvalue $0xFFFFFFFF  }
0xc9: {  	[hbm4b:s1+s16] =	stream.indirect_vreg.scatter [tilespmem:s26], [sflag:$0x9], $0x1, v3, vm0, $0x4038;
	[tilespmem:$0x11A60] =	vst v63  }
.LBB2_10:
0xca: {  	_ =	sfence.sel $0x180000  }
0xcb: {  	s0 =	simm.s32 $0x7;
	[bflag:$0x0] =	sbarrier.arrive $0xFFFF  }
0xcc: {  	s26 =	simm.s32 $0x8;
	[sflag:s0] =	ssyncpa.u1 $0x1  }
0xcd: {  	s28 =	simm.s32 $0x9;
	[sflag:s26] =	ssyncpa.u1 $0x1  }
0xce: {  	[sflag:s28] =	ssyncpa.u1 $0x1  }
0xcf: {  	_ =	sfence.stream.spmem  }
0xd0: {  	s29 =	simm.s32 $0x3;
	[bflag:$0x0] =	sbarrier.arrive $0xFFFF  }
0xd1: {  	s30 =	simm.s32 $0x4;
	[sflag:s29] =	ssyncpa.u1 $0x1  }
0xd2: {  	s31 =	simm.s32 $0x3C;
	s2 =	stileid.u32;
	[sflag:s30] =	ssyncpa.u1 $0x1  }
0xd3: {  	p0 =	sne.s32 s2, $0x0;
	[sflag:s31] =	ssyncpa.u1 $0x1  }
0xd4: {  	s0 =	simm.s32 @p0 $0x1;
	_ =	sfence @p0  }
0xd5: {  	[sflag:s0] =	ssyncpa.u1 @p0 $0x1;
	s0 =	simm.s32 @p0 $0x2  }
0xd6: {  	[sflag:s0] =	ssyncpa.u1 @p0 $0x1  }
0xd7: {  	_ =	strace @p0 $0x9000004D  }
0xd8: {  	[bflag:$0x2] =	sbarrier.arrive @p0 $0xFFFF  }
0xd9: {  	_ =	shalt @p0  }
.LBB2_11:
0xda: {  	_ =	sfence.stream.spmem;
	s0 =	simm.s32 $0x5  }
0xdb: {  	s2 =	simm.s32 $0x80;
	s3 =	simm.s32 $0xC0;
	[sflag:s0] =	ssyncpa.u1 $0x0  }
0xdc: {  	[tilespmem:s3], [sflag:$0x5] =	stream.linear.gather [spmem:s2], $0x20, $0x38;
	[tilespmem:$0x11A60] =	vst v63  }
0xdd: {  	s2 =	simm.s32 $0x0;
	s3 =	simm.s32 $0xE0  }
0xde: {  	[tilespmem:s3], [sflag:$0x5] =	stream.linear.gather [spmem:s2], $0x20, $0x38;
	[tilespmem:$0x11A60] =	vst v63  }
.Ltmp7:
0xdf: {  	_ = 	snop;
	(pc) =	sbr.rel .LBB2_12-.Ltmp7, $4  }
0xe0: {  	_ =	swait.ge [sflag:s0], $0x40  }
0xe1: {  	[sflag:s0] =	ssyncset.done $0x0  }
0xe2: {  	s31 =	simm.s32 $0x6;
	[sflag:s0] =	ssyncadd.s32 $0xFFFFFFC0  }
0xe3: {  	s4 =	simm.s32 $0x0;
	[sflag:s31] =	ssyncpa.u1 $0x0  }
.LBB2_17:
0xe4: {  	p0 =	sgt.u32 s5, $0x27FF  }
0xe5: {  	s0 =	sshrl.u32 @!p0 s5, $0x3  }
0xe6: {  	s5 =	sand.u32 @!p0 $0x7, s5;
	s6 =	simm.s32 @!p0 $0xB0;
	s0 =	sadd.s32 @!p0 s1, s0  }
0xe7: {  	[tilespmem:s6], [sflag:$0x6] =	stream.linear.gather @!p0 [hbm4b:s0+s5], $0x1, $0x38;
	[tilespmem:$0x11A60] =	vst v63  }
0xe8: {  	s0 =	simm.s32 @!p0 $0x6  }
0xe9: {  	_ =	swait.ge @!p0 [sflag:s0], $0x1  }
0xea: {  	[sflag:s0] =	ssyncset.done @!p0 $0x0  }
0xeb: {  	[sflag:s0] =	ssyncadd.s32 @!p0 $0xFFFFFFFF  }
0xec: {  	v2 =	vmov @!p0 s4;
	v1 =	vld.msk @!p0 [tilespmem:$0xB0], $0x1;
	_ =	sdelay $0x3  }
0xed: {  	s0 =	simm.s32 @!p0 $0xE0  }
0xee: {  	[tilespmem:v2+s0+$0x0], v1 =	vst.idx.ret.add.f32.msk @!p0 $0x1, v1  }
0xef: {  	[tilespmem:s2+$0xC0] =	vst.msk $0x1, v0  }
0xf0: {  	v0 =	vld.msk [tilespmem:s4+$0xE0], $0x1;
	_ =	sdelay $0x4  }
0xf1: {  	[tilespmem:s2+$0xE0] =	vst.msk $0x1, v0;
	s2 =	sadd.s32 $0x1, s2  }
.LBB2_19:
0xf2: {  	s4 =	sadd.s32 $0x1, s4  }
0xf3: {  	p0 =	sne.s32 s4, $0x20  }
.Ltmp8:
0xf4: {  	_ = 	snop;
	(pc) =	sbr.rel @!p0 .LBB2_20-.Ltmp8, $1  }
0xf5: {  	_ =	sdelay $0x3  }
.LBB2_12:
0xf6: {  	v0 =	vld.msk [tilespmem:s4+$0xC0], $0x1;
	_ =	sdelay $0x4  }
0xf7: {  	(v2sf) =	vpush v0, $0x0;
	_ =	sdelay $0xe  }
0xf8: {  	s5 =	spop (v2sf)  }
0xf9: {  	p0 =	seq.s32 s5, $0xFFFFFFFF  }
.Ltmp9:
0xfa: {  	_ = 	snop;
	(pc) =	sbr.rel @p0 .LBB2_19-.Ltmp9, $1  }
0xfb: {  	_ =	sdelay $0x3  }
0xfc: {  	p0 =	slt.s32 s2, $0x1  }
.Ltmp10:
0xfd: {  	_ = 	snop;
	(pc) =	sbr.rel @p0 .LBB2_17-.Ltmp10, $1  }
0xfe: {  	_ =	sdelay $0x3  }
0xff: {  	s0 =	simm.s32 $0xC0;
	p0 =	por $0x0, $0x0  }
0x100: {  	v1 =	vld.msk @!p0 [tilespmem:s0+$0x0], $0x1;
	_ =	sdelay $0x4  }
0x101: {  	(v2sf) =	vpush @!p0 v1, $0x0;
	_ =	sdelay $0xd  }
0x102: {  	p2 =	sne.s32 s2, $0x1  }
.Ltmp11:
0x103: {  	s6 =	spop @!p0 (v2sf);
	(pc) =	sbr.rel @!p2 .LBB2_16-.Ltmp11, $4  }
0x104: {  	p1 =	seq.s32 @!p0 s5, s6  }
0x105: {  	s6 =	simm.s32 $0x0;
	p1 =	por !p1, p0  }
0x106: {  	s8 =	simm.s32 $0xFFFFFFFF;
	s6 =	simm.s32 @p1 $0xFFFFFFFF  }
0x107: {  	s7 =	simm.s32 $0x1;
	s6 =	smov.u32 @p0 s8  }
.LBB2_15:
0x108: {  	s8 =	smov.u32 s6;
	p0 =	sne.s32 s6, $0xFFFFFFFF  }
0x109: {  	s0 =	sadd.s32 $0x1, s0;
	s6 =	smov.u32 s7;
	s7 =	sadd.s32 $0x1, s7  }
0x10a: {  	p1 =	sne.s32 s2, s7;
	v1 =	vld.msk @!p0 [tilespmem:s0+$0x0], $0x1;
	_ =	sdelay $0x4  }
0x10b: {  	(v2sf) =	vpush @!p0 v1, $0x0;
	_ =	sdelay $0xe  }
.Ltmp12:
0x10c: {  	s9 =	spop @!p0 (v2sf);
	(pc) =	sbr.rel @p1 .LBB2_15-.Ltmp12, $4  }
0x10d: {  	p2 =	seq.s32 @!p0 s5, s9  }
0x10e: {  	p2 =	por !p2, p0  }
0x10f: {  	s6 =	simm.s32 @p2 $0xFFFFFFFF  }
0x110: {  	s6 =	smov.u32 @p0 s8  }
.LBB2_16:
0x111: {  	p0 =	sne.s32 s6, $0xFFFFFFFF  }
.Ltmp13:
0x112: {  	_ = 	snop;
	(pc) =	sbr.rel @!p0 .LBB2_17-.Ltmp13, $1  }
0x113: {  	_ =	sdelay $0x3  }
0x114: {  	v0 =	vld.msk [tilespmem:s4+$0xE0], $0x1;
	v1 =	vmov s6  }
.Ltmp14:
0x115: {  	_ = 	snop;
	(pc) =	sbr.rel .LBB2_19-.Ltmp14, $2  }
0x116: {  	_ =	sdelay $0x2  }
0x117: {  	[tilespmem:v1+s3+$0x0], v0 =	vst.idx.ret.add.f32.msk $0x1, v0  }
.LBB2_20:
0x118: {  	p0 =	slt.s32 s2, $0x1  }
.Ltmp15:
0x119: {  	_ = 	snop;
	(pc) =	sbr.rel @p0 .LBB2_24-.Ltmp15, $3  }
0x11a: {  	_ =	sdelay $0x1  }
0x11b: {  	s0 =	simm.s32 $0x6  }
0x11c: {  	s3 =	simm.s32 $0x0;
	[sflag:s0] =	ssyncpa.u1 $0x1  }
0x11d: {  	s0 =	simm.s32 $0xC0  }
0x11e: {  	v0 =	vld.msk [tilespmem:s0+$0x0], $0x1;
	_ =	sdelay $0x4  }
0x11f: {  	(v2sf) =	vpush v0, $0x0;
	_ =	sdelay $0xe  }
0x120: {  	s2 =	sadd.s32 $0xFFFFFFFF, s2;
	s4 =	spop (v2sf)  }
0x121: {  	p1 =	sne.s32 s2, $0x0;
	p0 =	sgt.u32 s4, $0x27FF  }
.Ltmp16:
0x122: {  	s5 =	sshrl.u32 @!p0 s4, $0x3;
	(pc) =	sbr.rel @!p1 .LBB2_23-.Ltmp16, $4  }
0x123: {  	s0 =	simm.s32 $0xE0;
	s4 =	sand.u32 @!p0 $0x7, s4;
	s5 =	sadd.s32 @!p0 s1, s5  }
0x124: {  	[hbm4b:s5+s4] =	stream.linear.scatter @!p0 [tilespmem:s0], [sflag:$0x5], $0x1, $0x38;
	[tilespmem:$0x11A60] =	vst v63  }
0x125: {  	s5 =	simm.s32 $0x0  }
0x126: {  	s4 =	simm.s32 $0xC1;
	s5 =	simm.s32 @!p0 $0x4  }
.LBB2_22:
0x127: {  	v0 =	vld.msk [tilespmem:s4+$0x0], $0x1;
	s2 =	sadd.s32 $0xFFFFFFFF, s2;
	s3 =	sadd.s32 s3, s5  }
0x128: {  	p0 =	sne.s32 s2, $0x0;
	_ =	sdelay $0x3  }
0x129: {  	(v2sf) =	vpush v0, $0x0;
	_ =	sdelay $0xe  }
.Ltmp17:
0x12a: {  	s6 =	spop (v2sf);
	(pc) =	sbr.rel @p0 .LBB2_22-.Ltmp17, $4  }
0x12b: {  	s5 =	simm.s32 $0x0;
	p1 =	sgt.u32 s6, $0x27FF  }
0x12c: {  	s0 =	sadd.s32 $0x1, s0;
	s5 =	simm.s32 @!p1 $0x4;
	s7 =	sshrl.u32 @!p1 s6, $0x3  }
0x12d: {  	s4 =	sadd.s32 $0x1, s4;
	s6 =	sand.u32 @!p1 $0x7, s6;
	s7 =	sadd.s32 @!p1 s1, s7  }
0x12e: {  	[hbm4b:s7+s6] =	stream.linear.scatter @!p1 [tilespmem:s0], [sflag:$0x5], $0x1, $0x38;
	[tilespmem:$0x11A60] =	vst v63  }
.LBB2_23:
0x12f: {  	s0 =	sadd.s32 s3, s5  }
0x130: {  	s3 =	sshrl.u32 s0, $0x2  }
.LBB2_24:
0x131: {  	s0 =	simm.s32 $0x5  }
0x132: {  	_ =	swait.ge [sflag:s0], s3  }
0x133: {  	s1 =	ssub.s32 $0x0, s3;
	[sflag:s0] =	ssyncset.done $0x0  }
0x134: {  	[sflag:s0] =	ssyncadd.s32 s1  }
0x135: {  	[sflag:s0] =	ssyncpa.u1 $0x1  }
0x136: {  	s29 =	simm.s32 $0x1;
	_ =	sfence  }
0x137: {  	s30 =	simm.s32 $0x2;
	[sflag:s29] =	ssyncpa.u1 $0x1  }
0x138: {  	[sflag:s30] =	ssyncpa.u1 $0x1  }
0x139: {  	_ =	strace $0x9000004D  }
0x13a: {  	[bflag:$0x2] =	sbarrier.arrive $0xFFFF  }
0x13b: {  	s31 =	rddreg [dreg:$0x1]  }
0x13c: {  	s0 =	sadd.s32 $0x100000, s31  }
0x13d: {  	[sflag:s0] =	ssyncadd.tile.s32 $0x1;
	_ =	shalt  }
.Lfunc_end2:
_tile_overlayer_lowered:
.L_overlay_start_2:
0x13e: {  	(tag) =	ssettag $0x2  }
0x13f: {  	s0 =	rddreg [dreg:$0x0];
	s2 =	stileid.u32  }
0x140: {  	s1 =	rddreg [dreg:$0x1];
	p0 =	sne.s32 s2, $0x0  }
0x141: {  	s3 =	rddreg [dreg:$0x2];
	[bflag:$0x3] =	sbarrier.arrive $0xFFFF;
	s2 =	simm.s32 @!p0 $0x1C01  }
0x142: {  	[timem:s3], [sflag:s2] =	dma.local @!p0 [hbm:s0], s1  }
0x143: {  	s0 =	simm.s32 @!p0 $0x1  }
0x144: {  	_ =	swait.ge @!p0 [sflag:s0], s1  }
0x145: {  	s1 =	ssub.s32 @!p0 $0x0, s1;
	[sflag:s0] =	ssyncset.done @!p0 $0x0  }
0x146: {  	[sflag:s0] =	ssyncadd.s32 @!p0 s1  }
0x147: {  	[bflag:$0x3] =	sbarrier.arrive $0xFFFF  }
0x148: {  	_ =	shalt  }

</sc_bundles>
